<compile_context>
chip_gen: v7x
topology: tpu7x:2x2x1
jax: 0.10.2.dev20260603
libtpu: 0.0.44.dev20260713+nightly
codegen_flags: <defaults>
</compile_context>

<pallas_src>
import functools

import jax
import jax.numpy as jnp
from jax import lax
from jax.experimental import pallas as pl
from jax.experimental.pallas import tpu as pltpu
from jax.experimental.pallas import tpu_sc as plsc

N_NODES = 10000
N_EDGES = 320000
D = 128
DH = D // 2

NC = 2
NS = 16
E_PER_TILE = N_EDGES // NS
CHUNK = 128
NFULL = E_PER_TILE // CHUNK
TAIL = E_PER_TILE - NFULL * CHUNK
ROWS_PER_TILE = 624
ZROWS = 208
EXTRA_ROWS = N_NODES - NS * ROWS_PER_TILE
DEG_W = 16


def _zero_vmem(buf, nrows, ncols):
    z16 = jnp.zeros((16,), jnp.float32)

    def row(r, carry):
        for j in range(ncols // 16):
            buf[r, pl.ds(j * 16, 16)] = z16
        return carry

    lax.fori_loop(0, nrows, row, 0)


def _fill_ones(buf, nrows):
    o16 = jnp.ones((16,), jnp.float32)

    def row(r, carry):
        buf[r, :] = o16
        return carry

    lax.fori_loop(0, nrows, row, 0)


def _sc_agg_body(with_deg, *refs):
    if with_deg:
        (x0_hbm, x1_hbm, src_hbm, dst_hbm, agg_out, deg_out,
         zbuf, zdbuf, rows_v, rows_t, ones_v, ones_t,
         sidx, didx, sidx_t, didx_t, acc_sh, deg_sh, sem) = refs
    else:
        (x0_hbm, x1_hbm, src_hbm, dst_hbm, agg_out,
         zbuf, rows_v, rows_t,
         sidx, didx, sidx_t, didx_t, acc_sh, sem) = refs

    c = lax.axis_index("c")
    s = lax.axis_index("s")
    is_sc0 = c == 0
    last_tile = s == NS - 1
    extra0 = NS * ROWS_PER_TILE

    _zero_vmem(zbuf, ZROWS, DH)
    for b in range(ROWS_PER_TILE // ZROWS):
        r0 = s * ROWS_PER_TILE + b * ZROWS
        pltpu.sync_copy(zbuf, acc_sh.at[pl.ds(r0, ZROWS)])

    @pl.when(last_tile)
    def _():
        pltpu.sync_copy(zbuf.at[pl.ds(0, EXTRA_ROWS)],
                        acc_sh.at[pl.ds(extra0, EXTRA_ROWS)])

    if with_deg:
        _zero_vmem(zdbuf, ZROWS, DEG_W)
        _fill_ones(ones_v, CHUNK)
        _fill_ones(ones_t, TAIL)
        for b in range(ROWS_PER_TILE // ZROWS):
            r0 = s * ROWS_PER_TILE + b * ZROWS
            pltpu.sync_copy(zdbuf, deg_sh.at[pl.ds(r0, ZROWS)])

        @pl.when(last_tile)
        def _():
            pltpu.sync_copy(zdbuf.at[pl.ds(0, EXTRA_ROWS)],
                            deg_sh.at[pl.ds(extra0, EXTRA_ROWS)])

    plsc.subcore_barrier()

    e_base = s * E_PER_TILE

    def do_chunk(e0, rows, n_sidx, n_didx, n_ones):
        pltpu.sync_copy(src_hbm.at[pl.ds(e0, rows.shape[0])], n_sidx)
        pltpu.sync_copy(dst_hbm.at[pl.ds(e0, rows.shape[0])], n_didx)

        @pl.when(is_sc0)
        def _():
            pltpu.async_copy(x0_hbm.at[n_sidx], rows, sem).wait()

        @pl.when(jnp.logical_not(is_sc0))
        def _():
            pltpu.async_copy(x1_hbm.at[n_sidx], rows, sem).wait()

        pltpu.sync_copy(rows, acc_sh.at[n_didx], add=True)
        if with_deg:
            @pl.when(is_sc0)
            def _():
                pltpu.sync_copy(n_ones, deg_sh.at[n_didx], add=True)

    def chunk(i, carry):
        e0 = pl.multiple_of(e_base + i * CHUNK, 8)
        do_chunk(e0, rows_v, sidx, didx, ones_v if with_deg else None)
        return carry

    lax.fori_loop(0, NFULL, chunk, 0)

    e0 = pl.multiple_of(e_base + NFULL * CHUNK, 8)
    do_chunk(e0, rows_t, sidx_t, didx_t, ones_t if with_deg else None)

    plsc.subcore_barrier()

    r0 = s * ROWS_PER_TILE
    pltpu.sync_copy(acc_sh.at[pl.ds(r0, ROWS_PER_TILE)],
                    agg_out.at[c, pl.ds(r0, ROWS_PER_TILE)])

    @pl.when(last_tile)
    def _():
        pltpu.sync_copy(acc_sh.at[pl.ds(extra0, EXTRA_ROWS)],
                        agg_out.at[c, pl.ds(extra0, EXTRA_ROWS)])

    if with_deg:
        @pl.when(is_sc0)
        def _():
            pltpu.sync_copy(deg_sh.at[pl.ds(r0, ROWS_PER_TILE)],
                            deg_out.at[pl.ds(r0, ROWS_PER_TILE)])

        @pl.when(jnp.logical_and(is_sc0, last_tile))
        def _():
            pltpu.sync_copy(deg_sh.at[pl.ds(extra0, EXTRA_ROWS)],
                            deg_out.at[pl.ds(extra0, EXTRA_ROWS)])


@functools.lru_cache(maxsize=None)
def _sc_kernels():
    mesh = plsc.VectorSubcoreMesh(core_axis_name="c", subcore_axis_name="s",
                                  num_cores=NC, num_subcores=NS)
    idx_scratch = [
        pltpu.VMEM((CHUNK,), jnp.int32),
        pltpu.VMEM((CHUNK,), jnp.int32),
        pltpu.VMEM((TAIL,), jnp.int32),
        pltpu.VMEM((TAIL,), jnp.int32),
    ]
    sc_params = pltpu.CompilerParams(use_tc_tiling_on_sc=False)
    sc_agg_deg = pl.kernel(
        functools.partial(_sc_agg_body, True),
        compiler_params=sc_params,
        out_type=(
            jax.ShapeDtypeStruct((NC, N_NODES, DH), jnp.float32),
            jax.ShapeDtypeStruct((N_NODES, DEG_W), jnp.float32),
        ),
        mesh=mesh,
        scratch_types=[
            pltpu.VMEM((ZROWS, DH), jnp.float32),
            pltpu.VMEM((ZROWS, DEG_W), jnp.float32),
            pltpu.VMEM((CHUNK, DH), jnp.float32),
            pltpu.VMEM((TAIL, DH), jnp.float32),
            pltpu.VMEM((CHUNK, DEG_W), jnp.float32),
            pltpu.VMEM((TAIL, DEG_W), jnp.float32),
            *idx_scratch,
            pltpu.VMEM_SHARED((N_NODES, DH), jnp.float32),
            pltpu.VMEM_SHARED((N_NODES, DEG_W), jnp.float32),
            pltpu.SemaphoreType.DMA,
        ],
    )
    sc_agg = pl.kernel(
        functools.partial(_sc_agg_body, False),
        compiler_params=sc_params,
        out_type=jax.ShapeDtypeStruct((NC, N_NODES, DH), jnp.float32),
        mesh=mesh,
        scratch_types=[
            pltpu.VMEM((ZROWS, DH), jnp.float32),
            pltpu.VMEM((CHUNK, DH), jnp.float32),
            pltpu.VMEM((TAIL, DH), jnp.float32),
            *idx_scratch,
            pltpu.VMEM_SHARED((N_NODES, DH), jnp.float32),
            pltpu.SemaphoreType.DMA,
        ],
    )
    return sc_agg_deg, sc_agg



BLK = 400


def _mean_of(aggp, deg):
    agg = jnp.concatenate([aggp[0], aggp[1]], axis=-1)
    rdeg = 1.0 / jnp.maximum(deg[:, 0:1], 1.0)
    return agg * rdeg


def _dense1_body(aggp, deg, x, wl, wr, b, out0, out1):
    h = (jnp.dot(_mean_of(aggp, deg), wl[...],
                 preferred_element_type=jnp.float32)
         + jnp.dot(x[...], wr[...], preferred_element_type=jnp.float32)
         + b[...])
    h = jnp.maximum(h, 0.0)
    out0[...] = h[:, :DH]
    out1[...] = h[:, DH:]


def _dense2_body(aggp, deg, h0, h1, wl, wr, b, out):
    hin = jnp.concatenate([h0[...], h1[...]], axis=-1)
    out[...] = (jnp.dot(_mean_of(aggp, deg), wl[...],
                        preferred_element_type=jnp.float32)
                + jnp.dot(hin, wr[...], preferred_element_type=jnp.float32)
                + b[...])


_AGG_SPEC = pl.BlockSpec((NC, BLK, DH), lambda i: (0, i, 0))
_DEG_SPEC = pl.BlockSpec((BLK, DEG_W), lambda i: (i, 0))
_ROW_SPEC = pl.BlockSpec((BLK, D), lambda i: (i, 0))
_HALF_SPEC = pl.BlockSpec((BLK, DH), lambda i: (i, 0))
_W_SPEC = pl.BlockSpec((D, D), lambda i: (0, 0))
_B_SPEC = pl.BlockSpec((1, D), lambda i: (0, 0))


def _dense1(aggp, deg, x, wl, wr, b):
    return pl.pallas_call(
        _dense1_body,
        grid=(N_NODES // BLK,),
        in_specs=[_AGG_SPEC, _DEG_SPEC, _ROW_SPEC, _W_SPEC, _W_SPEC, _B_SPEC],
        out_specs=[_HALF_SPEC, _HALF_SPEC],
        out_shape=[jax.ShapeDtypeStruct((N_NODES, DH), jnp.float32)] * 2,
    )(aggp, deg, x, wl, wr, b)


def _dense2(aggp, deg, h0, h1, wl, wr, b):
    return pl.pallas_call(
        _dense2_body,
        grid=(N_NODES // BLK,),
        in_specs=[_AGG_SPEC, _DEG_SPEC, _HALF_SPEC, _HALF_SPEC,
                  _W_SPEC, _W_SPEC, _B_SPEC],
        out_specs=_ROW_SPEC,
        out_shape=jax.ShapeDtypeStruct((N_NODES, D), jnp.float32),
    )(aggp, deg, h0, h1, wl, wr, b)


def kernel(x, edge_index, W1_l, W1_r, b1, W2_l, W2_r, b2):
    sc_agg_deg, sc_agg = _sc_kernels()
    src = edge_index[0].astype(jnp.int32)
    dst = edge_index[1].astype(jnp.int32)
    x0 = x[:, :DH]
    x1 = x[:, DH:]
    agg1, deg = sc_agg_deg(x0, x1, src, dst)
    h0, h1 = _dense1(agg1, deg, x, W1_l, W1_r, b1.reshape(1, D))
    agg2 = sc_agg(h0, h1, src, dst)
    z = _dense2(agg2, deg, h0, h1, W2_l, W2_r, b2.reshape(1, D))
    return z

# --- scband reference (transcript-rebuilt; emitter-appended) ---
"""Pipeline reference for scband-graph-sage-80264348827944 (READ-ONLY COPY).

The authoritative reference and input builder live on the scoring server;
editing this copy changes nothing except your own understanding.
"""

import jax, jax.numpy as jnp
import numpy as np

N_NODES = 10000
N_EDGES = 320000
D_IN = 128
D_HID = 128
D_OUT = 128


def setup_inputs(seed: int = 0) -> dict:
    key = jax.random.key(seed)
    ks = jax.random.split(key, 9)
    x = jax.random.normal(ks[0], (N_NODES, D_IN), dtype=jnp.float32)
    edge_index = jax.random.randint(ks[1], (2, N_EDGES), 0, N_NODES, dtype=jnp.int64)
    s1 = 1.0 / np.sqrt(D_IN)
    s2 = 1.0 / np.sqrt(D_HID)
    W1_l = jax.random.uniform(ks[2], (D_IN, D_HID), minval=-s1, maxval=s1, dtype=jnp.float32)
    W1_r = jax.random.uniform(ks[3], (D_IN, D_HID), minval=-s1, maxval=s1, dtype=jnp.float32)
    b1 = jax.random.uniform(ks[4], (D_HID,), minval=-s1, maxval=s1, dtype=jnp.float32)
    W2_l = jax.random.uniform(ks[5], (D_HID, D_OUT), minval=-s2, maxval=s2, dtype=jnp.float32)
    W2_r = jax.random.uniform(ks[6], (D_HID, D_OUT), minval=-s2, maxval=s2, dtype=jnp.float32)
    b2 = jax.random.uniform(ks[7], (D_OUT,), minval=-s2, maxval=s2, dtype=jnp.float32)
    return {"x": x, "edge_index": edge_index, "W1_l": W1_l, "W1_r": W1_r, "b1": b1,
            "W2_l": W2_l, "W2_r": W2_r, "b2": b2}


def _sage_conv(x, edge_index, W_l, W_r, b):
    # PyG SAGEConv with mean aggregation:
    # out[i] = lin_l(mean_{j in N(i)} x[j]) + lin_r(x[i])
    src = edge_index[0]
    dst = edge_index[1]
    msgs = jnp.take(x, src, axis=0)                                   # gather [E, d]
    agg = jax.ops.segment_sum(msgs, dst, num_segments=N_NODES)        # scatter-add
    deg = jax.ops.segment_sum(jnp.ones((msgs.shape[0],), dtype=x.dtype), dst, num_segments=N_NODES)
    mean = agg / jnp.clip(deg, 1.0)[:, None]
    return mean @ W_l + x @ W_r + b


def reference(x, edge_index, W1_l, W1_r, b1, W2_l, W2_r, b2):
    h = _sage_conv(x, edge_index, W1_l, W1_r, b1)
    h = jax.nn.relu(h)
    z = _sage_conv(h, edge_index, W2_l, W2_r, b2)
    return z

if __name__ == "__main__":
    import jax
    _d = setup_inputs()
    print(jax.jit(kernel)(*tuple(_d.values())))

</pallas_src>

<mosaic_0001>
#map = affine_map<(d0, d1) -> (0, 0)>
#map1 = affine_map<(d0, d1) -> (0)>
#map2 = affine_map<(d0, d1) -> (0, 0, 0)>
module attributes {stable_mosaic.version = 14 : i64} {
  func.func @_sc_agg_body(%arg0: i32, %arg1: i32, %arg2: memref<10000x64xf32, #tpu.memory_space<hbm>>, %arg3: memref<10000x64xf32, #tpu.memory_space<hbm>>, %arg4: memref<320000xi32, #tpu.memory_space<hbm>>, %arg5: memref<320000xi32, #tpu.memory_space<hbm>>, %arg6: memref<2x10000x64xf32, #tpu.memory_space<hbm>>, %arg7: memref<208x64xf32, #tpu.memory_space<vmem>>, %arg8: memref<128x64xf32, #tpu.memory_space<vmem>>, %arg9: memref<32x64xf32, #tpu.memory_space<vmem>>, %arg10: memref<128xi32, #tpu.memory_space<vmem>>, %arg11: memref<128xi32, #tpu.memory_space<vmem>>, %arg12: memref<32xi32, #tpu.memory_space<vmem>>, %arg13: memref<32xi32, #tpu.memory_space<vmem>>, %arg14: memref<10000x64xf32, #tpu.memory_space<vmem_shared>>, %arg15: memref<!tpu.dma_semaphore, #tpu.memory_space<semaphore_mem>>) attributes {dimension_semantics = [#tpu.dimension_semantics<core_parallel>, #tpu.dimension_semantics<subcore_parallel>], iteration_bounds = array<i64: 2, 16>, scalar_prefetch = 0 : i64, scratch_operands = 9 : i64, tpu.core_type = #tpu.core_type<sc_vector_subcore>, window_params = [{transform_indices = #map}, {transform_indices = #map}, {transform_indices = #map1}, {transform_indices = #map1}, {transform_indices = #map2}]} {
    %eq3A = arith.constant 0 : i32
    %eq3A_0 = arith.cmpi eq, %arg0, %eq3A : i32
    %eq3A_1 = arith.constant 15 : i32
    %eq3A_2 = arith.cmpi eq, %arg1, %eq3A_1 : i32
    %broadcast_in_dim3A = arith.constant 0.000000e+00 : f32
    %broadcast_in_dim3A_3 = vector.broadcast %broadcast_in_dim3A : f32 to vector<16xf32>
    %scan3A = arith.constant 0 : i32
    %scan3A_4 = arith.constant 0 : i32
    %scan3A_5 = arith.constant 208 : i32
    %scan3A_6 = arith.addi %scan3A_4, %scan3A_5 : i32
    %scan3A_7 = arith.constant 1 : i32
    scf.for %scan3A_43 = %scan3A_4 to %scan3A_6 step %scan3A_7  : i32 {
      %swap3A = arith.index_cast %scan3A_43 : i32 to index
      %swap3A_44 = arith.constant 0 : index
      %swap3A_45 = tpu.vector_load %arg7[%swap3A, %swap3A_44] {strides = array<i32>} : memref<208x64xf32, #tpu.memory_space<vmem>>, vector<1x16xf32>,
      %swap3A_46 = vector.shape_cast %swap3A_45 : vector<1x16xf32> to vector<16xf32>
      %swap3A_47 = vector.shape_cast %broadcast_in_dim3A_3 : vector<16xf32> to vector<1x16xf32>
      tpu.vector_store %arg7[%swap3A, %swap3A_44], %swap3A_47 {strides = array<i32>} : memref<208x64xf32, #tpu.memory_space<vmem>>, vector<1x16xf32>,
      %swap3A_48 = arith.index_cast %scan3A_43 : i32 to index
      %swap3A_49 = arith.constant 16 : index
      %swap3A_50 = tpu.vector_load %arg7[%swap3A_48, %swap3A_49] {strides = array<i32>} : memref<208x64xf32, #tpu.memory_space<vmem>>, vector<1x16xf32>,
      %swap3A_51 = vector.shape_cast %swap3A_50 : vector<1x16xf32> to vector<16xf32>
      %swap3A_52 = vector.shape_cast %broadcast_in_dim3A_3 : vector<16xf32> to vector<1x16xf32>
      tpu.vector_store %arg7[%swap3A_48, %swap3A_49], %swap3A_52 {strides = array<i32>} : memref<208x64xf32, #tpu.memory_space<vmem>>, vector<1x16xf32>,
      %swap3A_53 = arith.index_cast %scan3A_43 : i32 to index
      %swap3A_54 = arith.constant 32 : index
      %swap3A_55 = tpu.vector_load %arg7[%swap3A_53, %swap3A_54] {strides = array<i32>} : memref<208x64xf32, #tpu.memory_space<vmem>>, vector<1x16xf32>,
      %swap3A_56 = vector.shape_cast %swap3A_55 : vector<1x16xf32> to vector<16xf32>
      %swap3A_57 = vector.shape_cast %broadcast_in_dim3A_3 : vector<16xf32> to vector<1x16xf32>
      tpu.vector_store %arg7[%swap3A_53, %swap3A_54], %swap3A_57 {strides = array<i32>} : memref<208x64xf32, #tpu.memory_space<vmem>>, vector<1x16xf32>,
      %swap3A_58 = arith.index_cast %scan3A_43 : i32 to index
      %swap3A_59 = arith.constant 48 : index
      %swap3A_60 = tpu.vector_load %arg7[%swap3A_58, %swap3A_59] {strides = array<i32>} : memref<208x64xf32, #tpu.memory_space<vmem>>, vector<1x16xf32>,
      %swap3A_61 = vector.shape_cast %swap3A_60 : vector<1x16xf32> to vector<16xf32>
      %swap3A_62 = vector.shape_cast %broadcast_in_dim3A_3 : vector<16xf32> to vector<1x16xf32>
      tpu.vector_store %arg7[%swap3A_58, %swap3A_59], %swap3A_62 {strides = array<i32>} : memref<208x64xf32, #tpu.memory_space<vmem>>, vector<1x16xf32>,
    }
    %scan3A_8 = arith.constant 208 : i32
    %mul3A = arith.constant 624 : i32
    %mul3A_9 = arith.muli %arg1, %mul3A : i32
    %add3A = arith.constant 0 : i32
    %add3A_10 = arith.addi %mul3A_9, %add3A : i32
    "tpu.region"() ({
      %run_scoped3A = tpu.sem_alloc : memref<!tpu.dma_semaphore, #tpu.memory_space<semaphore_mem>>
      %dma_start3A = arith.constant 0 : i32
      %dma_start3A_43 = tpu.memref_slice %arg14[%add3A_10, %dma_start3A] : memref<10000x64xf32, #tpu.memory_space<vmem_shared>> -> memref<208x64xf32, #tpu.memory_space<vmem_shared>>
      %dma_start3A_44 = arith.constant 0 : i32
      %dma_start3A_45 = tpu.memref_slice %arg14[%add3A_10, %dma_start3A_44] : memref<10000x64xf32, #tpu.memory_space<vmem_shared>> -> memref<208x64xf32, #tpu.memory_space<vmem_shared>>
      tpu.enqueue_dma source(%arg7 : memref<208x64xf32, #tpu.memory_space<vmem>>) target(%dma_start3A_45 : memref<208x64xf32, #tpu.memory_space<vmem_shared>>) target_semaphore(%run_scoped3A : memref<!tpu.dma_semaphore, #tpu.memory_space<semaphore_mem>>)
      %dma_wait3A = arith.constant 0 : i32
      %dma_wait3A_46 = tpu.memref_slice %arg14[%add3A_10, %dma_wait3A] : memref<10000x64xf32, #tpu.memory_space<vmem_shared>> -> memref<208x64xf32, #tpu.memory_space<vmem_shared>>
      %dma_wait3A_47 = arith.constant 0 : i32
      %dma_wait3A_48 = tpu.memref_slice %arg14[%add3A_10, %dma_wait3A_47] : memref<10000x64xf32, #tpu.memory_space<vmem_shared>> -> memref<208x64xf32, #tpu.memory_space<vmem_shared>>
      tpu.wait_dma2 semaphore(%run_scoped3A : memref<!tpu.dma_semaphore, #tpu.memory_space<semaphore_mem>>) src(%arg7 : memref<208x64xf32, #tpu.memory_space<vmem>>) dst(%dma_wait3A_48 : memref<208x64xf32, #tpu.memory_space<vmem_shared>>)
      tpu.yield
    }) : () -> ()
    %mul3A_11 = arith.constant 624 : i32
    %mul3A_12 = arith.muli %arg1, %mul3A_11 : i32
    %add3A_13 = arith.constant 208 : i32
    %add3A_14 = arith.addi %mul3A_12, %add3A_13 : i32
    "tpu.region"() ({
      %run_scoped3A = tpu.sem_alloc : memref<!tpu.dma_semaphore, #tpu.memory_space<semaphore_mem>>
      %dma_start3A = arith.constant 0 : i32
      %dma_start3A_43 = tpu.memref_slice %arg14[%add3A_14, %dma_start3A] : memref<10000x64xf32, #tpu.memory_space<vmem_shared>> -> memref<208x64xf32, #tpu.memory_space<vmem_shared>>
      %dma_start3A_44 = arith.constant 0 : i32
      %dma_start3A_45 = tpu.memref_slice %arg14[%add3A_14, %dma_start3A_44] : memref<10000x64xf32, #tpu.memory_space<vmem_shared>> -> memref<208x64xf32, #tpu.memory_space<vmem_shared>>
      tpu.enqueue_dma source(%arg7 : memref<208x64xf32, #tpu.memory_space<vmem>>) target(%dma_start3A_45 : memref<208x64xf32, #tpu.memory_space<vmem_shared>>) target_semaphore(%run_scoped3A : memref<!tpu.dma_semaphore, #tpu.memory_space<semaphore_mem>>)
      %dma_wait3A = arith.constant 0 : i32
      %dma_wait3A_46 = tpu.memref_slice %arg14[%add3A_14, %dma_wait3A] : memref<10000x64xf32, #tpu.memory_space<vmem_shared>> -> memref<208x64xf32, #tpu.memory_space<vmem_shared>>
      %dma_wait3A_47 = arith.constant 0 : i32
      %dma_wait3A_48 = tpu.memref_slice %arg14[%add3A_14, %dma_wait3A_47] : memref<10000x64xf32, #tpu.memory_space<vmem_shared>> -> memref<208x64xf32, #tpu.memory_space<vmem_shared>>
      tpu.wait_dma2 semaphore(%run_scoped3A : memref<!tpu.dma_semaphore, #tpu.memory_space<semaphore_mem>>) src(%arg7 : memref<208x64xf32, #tpu.memory_space<vmem>>) dst(%dma_wait3A_48 : memref<208x64xf32, #tpu.memory_space<vmem_shared>>)
      tpu.yield
    }) : () -> ()
    %mul3A_15 = arith.constant 624 : i32
    %mul3A_16 = arith.muli %arg1, %mul3A_15 : i32
    %add3A_17 = arith.constant 416 : i32
    %add3A_18 = arith.addi %mul3A_16, %add3A_17 : i32
    "tpu.region"() ({
      %run_scoped3A = tpu.sem_alloc : memref<!tpu.dma_semaphore, #tpu.memory_space<semaphore_mem>>
      %dma_start3A = arith.constant 0 : i32
      %dma_start3A_43 = tpu.memref_slice %arg14[%add3A_18, %dma_start3A] : memref<10000x64xf32, #tpu.memory_space<vmem_shared>> -> memref<208x64xf32, #tpu.memory_space<vmem_shared>>
      %dma_start3A_44 = arith.constant 0 : i32
      %dma_start3A_45 = tpu.memref_slice %arg14[%add3A_18, %dma_start3A_44] : memref<10000x64xf32, #tpu.memory_space<vmem_shared>> -> memref<208x64xf32, #tpu.memory_space<vmem_shared>>
      tpu.enqueue_dma source(%arg7 : memref<208x64xf32, #tpu.memory_space<vmem>>) target(%dma_start3A_45 : memref<208x64xf32, #tpu.memory_space<vmem_shared>>) target_semaphore(%run_scoped3A : memref<!tpu.dma_semaphore, #tpu.memory_space<semaphore_mem>>)
      %dma_wait3A = arith.constant 0 : i32
      %dma_wait3A_46 = tpu.memref_slice %arg14[%add3A_18, %dma_wait3A] : memref<10000x64xf32, #tpu.memory_space<vmem_shared>> -> memref<208x64xf32, #tpu.memory_space<vmem_shared>>
      %dma_wait3A_47 = arith.constant 0 : i32
      %dma_wait3A_48 = tpu.memref_slice %arg14[%add3A_18, %dma_wait3A_47] : memref<10000x64xf32, #tpu.memory_space<vmem_shared>> -> memref<208x64xf32, #tpu.memory_space<vmem_shared>>
      tpu.wait_dma2 semaphore(%run_scoped3A : memref<!tpu.dma_semaphore, #tpu.memory_space<semaphore_mem>>) src(%arg7 : memref<208x64xf32, #tpu.memory_space<vmem>>) dst(%dma_wait3A_48 : memref<208x64xf32, #tpu.memory_space<vmem_shared>>)
      tpu.yield
    }) : () -> ()
    %convert_element_type3A = arith.extui %eq3A_2 : i1 to i32
    %cond3A = arith.constant 0 : i32
    %cond3A_19 = arith.cmpi ne, %convert_element_type3A, %cond3A : i32
    scf.if %cond3A_19 {
      "tpu.region"() ({
        %run_scoped3A = tpu.sem_alloc : memref<!tpu.dma_semaphore, #tpu.memory_space<semaphore_mem>>
        %dma_start3A = arith.constant 0 : i32
        %dma_start3A_43 = arith.constant 0 : i32
        %dma_start3A_44 = tpu.memref_slice %arg7[%dma_start3A, %dma_start3A_43] : memref<208x64xf32, #tpu.memory_space<vmem>> -> memref<16x64xf32, #tpu.memory_space<vmem>>
        %dma_start3A_45 = arith.constant 9984 : i32
        %dma_start3A_46 = arith.constant 0 : i32
        %dma_start3A_47 = tpu.memref_slice %arg14[%dma_start3A_45, %dma_start3A_46] : memref<10000x64xf32, #tpu.memory_space<vmem_shared>> -> memref<16x64xf32, #tpu.memory_space<vmem_shared>>
        %dma_start3A_48 = arith.constant 9984 : i32
        %dma_start3A_49 = arith.constant 0 : i32
        %dma_start3A_50 = tpu.memref_slice %arg14[%dma_start3A_48, %dma_start3A_49] : memref<10000x64xf32, #tpu.memory_space<vmem_shared>> -> memref<16x64xf32, #tpu.memory_space<vmem_shared>>
        %dma_start3A_51 = arith.constant 0 : i32
        %dma_start3A_52 = arith.constant 0 : i32
        %dma_start3A_53 = tpu.memref_slice %arg7[%dma_start3A_51, %dma_start3A_52] : memref<208x64xf32, #tpu.memory_space<vmem>> -> memref<16x64xf32, #tpu.memory_space<vmem>>
        tpu.enqueue_dma source(%dma_start3A_53 : memref<16x64xf32, #tpu.memory_space<vmem>>) target(%dma_start3A_50 : memref<16x64xf32, #tpu.memory_space<vmem_shared>>) target_semaphore(%run_scoped3A : memref<!tpu.dma_semaphore, #tpu.memory_space<semaphore_mem>>)
        %dma_wait3A = arith.constant 0 : i32
        %dma_wait3A_54 = arith.constant 0 : i32
        %dma_wait3A_55 = tpu.memref_slice %arg7[%dma_wait3A, %dma_wait3A_54] : memref<208x64xf32, #tpu.memory_space<vmem>> -> memref<16x64xf32, #tpu.memory_space<vmem>>
        %dma_wait3A_56 = arith.constant 9984 : i32
        %dma_wait3A_57 = arith.constant 0 : i32
        %dma_wait3A_58 = tpu.memref_slice %arg14[%dma_wait3A_56, %dma_wait3A_57] : memref<10000x64xf32, #tpu.memory_space<vmem_shared>> -> memref<16x64xf32, #tpu.memory_space<vmem_shared>>
        %dma_wait3A_59 = arith.constant 9984 : i32
        %dma_wait3A_60 = arith.constant 0 : i32
        %dma_wait3A_61 = tpu.memref_slice %arg14[%dma_wait3A_59, %dma_wait3A_60] : memref<10000x64xf32, #tpu.memory_space<vmem_shared>> -> memref<16x64xf32, #tpu.memory_space<vmem_shared>>
        %dma_wait3A_62 = arith.constant 0 : i32
        %dma_wait3A_63 = arith.constant 0 : i32
        %dma_wait3A_64 = tpu.memref_slice %arg7[%dma_wait3A_62, %dma_wait3A_63] : memref<208x64xf32, #tpu.memory_space<vmem>> -> memref<16x64xf32, #tpu.memory_space<vmem>>
        tpu.wait_dma2 semaphore(%run_scoped3A : memref<!tpu.dma_semaphore, #tpu.memory_space<semaphore_mem>>) src(%dma_wait3A_64 : memref<16x64xf32, #tpu.memory_space<vmem>>) dst(%dma_wait3A_61 : memref<16x64xf32, #tpu.memory_space<vmem_shared>>)
        tpu.yield
      }) : () -> ()
    } else {
    }
    %barrier3A = arith.constant 0 : index
    tpu.barrier barrier_id(%barrier3A)
    %mul3A_20 = arith.constant 20000 : i32
    %mul3A_21 = arith.muli %arg1, %mul3A_20 : i32
    %scan3A_22 = arith.constant 0 : i32
    %scan3A_23 = arith.constant 0 : i32
    %scan3A_24 = arith.constant 156 : i32
    %scan3A_25 = arith.addi %scan3A_23, %scan3A_24 : i32
    %scan3A_26 = arith.constant 1 : i32
    scf.for %scan3A_43 = %scan3A_23 to %scan3A_25 step %scan3A_26  : i32 {
      %mul3A_44 = arith.constant 128 : i32
      %mul3A_45 = arith.muli %scan3A_43, %mul3A_44 : i32
      %add3A_46 = arith.addi %mul3A_21, %mul3A_45 : i32
      %multiple_of3A_47 = tpu.assume_multiple %add3A_46, 8 : i32
      "tpu.region"() ({
        %run_scoped3A = tpu.sem_alloc : memref<!tpu.dma_semaphore, #tpu.memory_space<semaphore_mem>>
        %dma_start3A = tpu.memref_slice %arg4[%multiple_of3A_47] : memref<320000xi32, #tpu.memory_space<hbm>> -> memref<128xi32, #tpu.memory_space<hbm>>
        %dma_start3A_56 = tpu.memref_slice %arg4[%multiple_of3A_47] : memref<320000xi32, #tpu.memory_space<hbm>> -> memref<128xi32, #tpu.memory_space<hbm>>
        tpu.enqueue_dma source(%dma_start3A_56 : memref<128xi32, #tpu.memory_space<hbm>>) target(%arg10 : memref<128xi32, #tpu.memory_space<vmem>>) target_semaphore(%run_scoped3A : memref<!tpu.dma_semaphore, #tpu.memory_space<semaphore_mem>>)
        %dma_wait3A = tpu.memref_slice %arg4[%multiple_of3A_47] : memref<320000xi32, #tpu.memory_space<hbm>> -> memref<128xi32, #tpu.memory_space<hbm>>
        %dma_wait3A_57 = tpu.memref_slice %arg4[%multiple_of3A_47] : memref<320000xi32, #tpu.memory_space<hbm>> -> memref<128xi32, #tpu.memory_space<hbm>>
        tpu.wait_dma2 semaphore(%run_scoped3A : memref<!tpu.dma_semaphore, #tpu.memory_space<semaphore_mem>>) src(%dma_wait3A_57 : memref<128xi32, #tpu.memory_space<hbm>>) dst(%arg10 : memref<128xi32, #tpu.memory_space<vmem>>)
        tpu.yield
      }) : () -> ()
      "tpu.region"() ({
        %run_scoped3A = tpu.sem_alloc : memref<!tpu.dma_semaphore, #tpu.memory_space<semaphore_mem>>
        %dma_start3A = tpu.memref_slice %arg5[%multiple_of3A_47] : memref<320000xi32, #tpu.memory_space<hbm>> -> memref<128xi32, #tpu.memory_space<hbm>>
        %dma_start3A_56 = tpu.memref_slice %arg5[%multiple_of3A_47] : memref<320000xi32, #tpu.memory_space<hbm>> -> memref<128xi32, #tpu.memory_space<hbm>>
        tpu.enqueue_dma source(%dma_start3A_56 : memref<128xi32, #tpu.memory_space<hbm>>) target(%arg11 : memref<128xi32, #tpu.memory_space<vmem>>) target_semaphore(%run_scoped3A : memref<!tpu.dma_semaphore, #tpu.memory_space<semaphore_mem>>)
        %dma_wait3A = tpu.memref_slice %arg5[%multiple_of3A_47] : memref<320000xi32, #tpu.memory_space<hbm>> -> memref<128xi32, #tpu.memory_space<hbm>>
        %dma_wait3A_57 = tpu.memref_slice %arg5[%multiple_of3A_47] : memref<320000xi32, #tpu.memory_space<hbm>> -> memref<128xi32, #tpu.memory_space<hbm>>
        tpu.wait_dma2 semaphore(%run_scoped3A : memref<!tpu.dma_semaphore, #tpu.memory_space<semaphore_mem>>) src(%dma_wait3A_57 : memref<128xi32, #tpu.memory_space<hbm>>) dst(%arg11 : memref<128xi32, #tpu.memory_space<vmem>>)
        tpu.yield
      }) : () -> ()
      %convert_element_type3A_48 = arith.extui %eq3A_0 : i1 to i32
      %cond3A_49 = arith.constant 0 : i32
      %cond3A_50 = arith.cmpi ne, %convert_element_type3A_48, %cond3A_49 : i32
      scf.if %cond3A_50 {
        %dma_start3A = arith.constant 0 : i32
        %dma_start3A_56 = arith.constant 0 : i32
        %dma_start3A_57 = tpu.memref_slice %arg2[%dma_start3A, %dma_start3A_56] : memref<10000x64xf32, #tpu.memory_space<hbm>> -> memref<10000x64xf32, #tpu.memory_space<hbm>>
        tpu.enqueue_indirect_dma source(%dma_start3A_57 : memref<10000x64xf32, #tpu.memory_space<hbm>>) target(%arg8 : memref<128x64xf32, #tpu.memory_space<vmem>>) offsets(%arg10 : memref<128xi32, #tpu.memory_space<vmem>>) semaphore(%arg15 : memref<!tpu.dma_semaphore, #tpu.memory_space<semaphore_mem>>)
        %dma_wait3A = arith.constant 0 : i32
        %dma_wait3A_58 = arith.constant 0 : i32
        %dma_wait3A_59 = tpu.memref_slice %arg2[%dma_wait3A, %dma_wait3A_58] : memref<10000x64xf32, #tpu.memory_space<hbm>> -> memref<10000x64xf32, #tpu.memory_space<hbm>>
        tpu.wait_indirect_dma semaphore(%arg15 : memref<!tpu.dma_semaphore, #tpu.memory_space<semaphore_mem>>) src(%dma_wait3A_59 : memref<10000x64xf32, #tpu.memory_space<hbm>>) dst(%arg8 : memref<128x64xf32, #tpu.memory_space<vmem>>)
      } else {
      }
      %not3A_51 = arith.constant true
      %not3A_52 = arith.xori %eq3A_0, %not3A_51 : i1
      %convert_element_type3A_53 = arith.extui %not3A_52 : i1 to i32
      %cond3A_54 = arith.constant 0 : i32
      %cond3A_55 = arith.cmpi ne, %convert_element_type3A_53, %cond3A_54 : i32
      scf.if %cond3A_55 {
        %dma_start3A = arith.constant 0 : i32
        %dma_start3A_56 = arith.constant 0 : i32
        %dma_start3A_57 = tpu.memref_slice %arg3[%dma_start3A, %dma_start3A_56] : memref<10000x64xf32, #tpu.memory_space<hbm>> -> memref<10000x64xf32, #tpu.memory_space<hbm>>
        tpu.enqueue_indirect_dma source(%dma_start3A_57 : memref<10000x64xf32, #tpu.memory_space<hbm>>) target(%arg8 : memref<128x64xf32, #tpu.memory_space<vmem>>) offsets(%arg10 : memref<128xi32, #tpu.memory_space<vmem>>) semaphore(%arg15 : memref<!tpu.dma_semaphore, #tpu.memory_space<semaphore_mem>>)
        %dma_wait3A = arith.constant 0 : i32
        %dma_wait3A_58 = arith.constant 0 : i32
        %dma_wait3A_59 = tpu.memref_slice %arg3[%dma_wait3A, %dma_wait3A_58] : memref<10000x64xf32, #tpu.memory_space<hbm>> -> memref<10000x64xf32, #tpu.memory_space<hbm>>
        tpu.wait_indirect_dma semaphore(%arg15 : memref<!tpu.dma_semaphore, #tpu.memory_space<semaphore_mem>>) src(%dma_wait3A_59 : memref<10000x64xf32, #tpu.memory_space<hbm>>) dst(%arg8 : memref<128x64xf32, #tpu.memory_space<vmem>>)
      } else {
      }
      "tpu.region"() ({
        %run_scoped3A = tpu.sem_alloc : memref<!tpu.dma_semaphore, #tpu.memory_space<semaphore_mem>>
        %dma_start3A = arith.constant 0 : i32
        %dma_start3A_56 = arith.constant 0 : i32
        %dma_start3A_57 = tpu.memref_slice %arg14[%dma_start3A, %dma_start3A_56] : memref<10000x64xf32, #tpu.memory_space<vmem_shared>> -> memref<10000x64xf32, #tpu.memory_space<vmem_shared>>
        tpu.enqueue_indirect_dma source(%arg8 : memref<128x64xf32, #tpu.memory_space<vmem>>) target(%dma_start3A_57 : memref<10000x64xf32, #tpu.memory_space<vmem_shared>>) offsets(%arg11 : memref<128xi32, #tpu.memory_space<vmem>>) semaphore(%run_scoped3A : memref<!tpu.dma_semaphore, #tpu.memory_space<semaphore_mem>>) {add = true}
        %dma_wait3A = arith.constant 0 : i32
        %dma_wait3A_58 = arith.constant 0 : i32
        %dma_wait3A_59 = tpu.memref_slice %arg14[%dma_wait3A, %dma_wait3A_58] : memref<10000x64xf32, #tpu.memory_space<vmem_shared>> -> memref<10000x64xf32, #tpu.memory_space<vmem_shared>>
        tpu.wait_indirect_dma semaphore(%run_scoped3A : memref<!tpu.dma_semaphore, #tpu.memory_space<semaphore_mem>>) src(%arg8 : memref<128x64xf32, #tpu.memory_space<vmem>>) dst(%dma_wait3A_59 : memref<10000x64xf32, #tpu.memory_space<vmem_shared>>)
        tpu.yield
      }) : () -> ()
    }
    %scan3A_27 = arith.constant 156 : i32
    %add3A_28 = arith.constant 19968 : i32
    %add3A_29 = arith.addi %mul3A_21, %add3A_28 : i32
    %multiple_of3A = tpu.assume_multiple %add3A_29, 8 : i32
    "tpu.region"() ({
      %run_scoped3A = tpu.sem_alloc : memref<!tpu.dma_semaphore, #tpu.memory_space<semaphore_mem>>
      %dma_start3A = tpu.memref_slice %arg4[%multiple_of3A] : memref<320000xi32, #tpu.memory_space<hbm>> -> memref<32xi32, #tpu.memory_space<hbm>>
      %dma_start3A_43 = tpu.memref_slice %arg4[%multiple_of3A] : memref<320000xi32, #tpu.memory_space<hbm>> -> memref<32xi32, #tpu.memory_space<hbm>>
      tpu.enqueue_dma source(%dma_start3A_43 : memref<32xi32, #tpu.memory_space<hbm>>) target(%arg12 : memref<32xi32, #tpu.memory_space<vmem>>) target_semaphore(%run_scoped3A : memref<!tpu.dma_semaphore, #tpu.memory_space<semaphore_mem>>)
      %dma_wait3A = tpu.memref_slice %arg4[%multiple_of3A] : memref<320000xi32, #tpu.memory_space<hbm>> -> memref<32xi32, #tpu.memory_space<hbm>>
      %dma_wait3A_44 = tpu.memref_slice %arg4[%multiple_of3A] : memref<320000xi32, #tpu.memory_space<hbm>> -> memref<32xi32, #tpu.memory_space<hbm>>
      tpu.wait_dma2 semaphore(%run_scoped3A : memref<!tpu.dma_semaphore, #tpu.memory_space<semaphore_mem>>) src(%dma_wait3A_44 : memref<32xi32, #tpu.memory_space<hbm>>) dst(%arg12 : memref<32xi32, #tpu.memory_space<vmem>>)
      tpu.yield
    }) : () -> ()
    "tpu.region"() ({
      %run_scoped3A = tpu.sem_alloc : memref<!tpu.dma_semaphore, #tpu.memory_space<semaphore_mem>>
      %dma_start3A = tpu.memref_slice %arg5[%multiple_of3A] : memref<320000xi32, #tpu.memory_space<hbm>> -> memref<32xi32, #tpu.memory_space<hbm>>
      %dma_start3A_43 = tpu.memref_slice %arg5[%multiple_of3A] : memref<320000xi32, #tpu.memory_space<hbm>> -> memref<32xi32, #tpu.memory_space<hbm>>
      tpu.enqueue_dma source(%dma_start3A_43 : memref<32xi32, #tpu.memory_space<hbm>>) target(%arg13 : memref<32xi32, #tpu.memory_space<vmem>>) target_semaphore(%run_scoped3A : memref<!tpu.dma_semaphore, #tpu.memory_space<semaphore_mem>>)
      %dma_wait3A = tpu.memref_slice %arg5[%multiple_of3A] : memref<320000xi32, #tpu.memory_space<hbm>> -> memref<32xi32, #tpu.memory_space<hbm>>
      %dma_wait3A_44 = tpu.memref_slice %arg5[%multiple_of3A] : memref<320000xi32, #tpu.memory_space<hbm>> -> memref<32xi32, #tpu.memory_space<hbm>>
      tpu.wait_dma2 semaphore(%run_scoped3A : memref<!tpu.dma_semaphore, #tpu.memory_space<semaphore_mem>>) src(%dma_wait3A_44 : memref<32xi32, #tpu.memory_space<hbm>>) dst(%arg13 : memref<32xi32, #tpu.memory_space<vmem>>)
      tpu.yield
    }) : () -> ()
    %convert_element_type3A_30 = arith.extui %eq3A_0 : i1 to i32
    %cond3A_31 = arith.constant 0 : i32
    %cond3A_32 = arith.cmpi ne, %convert_element_type3A_30, %cond3A_31 : i32
    scf.if %cond3A_32 {
      %dma_start3A = arith.constant 0 : i32
      %dma_start3A_43 = arith.constant 0 : i32
      %dma_start3A_44 = tpu.memref_slice %arg2[%dma_start3A, %dma_start3A_43] : memref<10000x64xf32, #tpu.memory_space<hbm>> -> memref<10000x64xf32, #tpu.memory_space<hbm>>
      tpu.enqueue_indirect_dma source(%dma_start3A_44 : memref<10000x64xf32, #tpu.memory_space<hbm>>) target(%arg9 : memref<32x64xf32, #tpu.memory_space<vmem>>) offsets(%arg12 : memref<32xi32, #tpu.memory_space<vmem>>) semaphore(%arg15 : memref<!tpu.dma_semaphore, #tpu.memory_space<semaphore_mem>>)
      %dma_wait3A = arith.constant 0 : i32
      %dma_wait3A_45 = arith.constant 0 : i32
      %dma_wait3A_46 = tpu.memref_slice %arg2[%dma_wait3A, %dma_wait3A_45] : memref<10000x64xf32, #tpu.memory_space<hbm>> -> memref<10000x64xf32, #tpu.memory_space<hbm>>
      tpu.wait_indirect_dma semaphore(%arg15 : memref<!tpu.dma_semaphore, #tpu.memory_space<semaphore_mem>>) src(%dma_wait3A_46 : memref<10000x64xf32, #tpu.memory_space<hbm>>) dst(%arg9 : memref<32x64xf32, #tpu.memory_space<vmem>>)
    } else {
    }
    %not3A = arith.constant true
    %not3A_33 = arith.xori %eq3A_0, %not3A : i1
    %convert_element_type3A_34 = arith.extui %not3A_33 : i1 to i32
    %cond3A_35 = arith.constant 0 : i32
    %cond3A_36 = arith.cmpi ne, %convert_element_type3A_34, %cond3A_35 : i32
    scf.if %cond3A_36 {
      %dma_start3A = arith.constant 0 : i32
      %dma_start3A_43 = arith.constant 0 : i32
      %dma_start3A_44 = tpu.memref_slice %arg3[%dma_start3A, %dma_start3A_43] : memref<10000x64xf32, #tpu.memory_space<hbm>> -> memref<10000x64xf32, #tpu.memory_space<hbm>>
      tpu.enqueue_indirect_dma source(%dma_start3A_44 : memref<10000x64xf32, #tpu.memory_space<hbm>>) target(%arg9 : memref<32x64xf32, #tpu.memory_space<vmem>>) offsets(%arg12 : memref<32xi32, #tpu.memory_space<vmem>>) semaphore(%arg15 : memref<!tpu.dma_semaphore, #tpu.memory_space<semaphore_mem>>)
      %dma_wait3A = arith.constant 0 : i32
      %dma_wait3A_45 = arith.constant 0 : i32
      %dma_wait3A_46 = tpu.memref_slice %arg3[%dma_wait3A, %dma_wait3A_45] : memref<10000x64xf32, #tpu.memory_space<hbm>> -> memref<10000x64xf32, #tpu.memory_space<hbm>>
      tpu.wait_indirect_dma semaphore(%arg15 : memref<!tpu.dma_semaphore, #tpu.memory_space<semaphore_mem>>) src(%dma_wait3A_46 : memref<10000x64xf32, #tpu.memory_space<hbm>>) dst(%arg9 : memref<32x64xf32, #tpu.memory_space<vmem>>)
    } else {
    }
    "tpu.region"() ({
      %run_scoped3A = tpu.sem_alloc : memref<!tpu.dma_semaphore, #tpu.memory_space<semaphore_mem>>
      %dma_start3A = arith.constant 0 : i32
      %dma_start3A_43 = arith.constant 0 : i32
      %dma_start3A_44 = tpu.memref_slice %arg14[%dma_start3A, %dma_start3A_43] : memref<10000x64xf32, #tpu.memory_space<vmem_shared>> -> memref<10000x64xf32, #tpu.memory_space<vmem_shared>>
      tpu.enqueue_indirect_dma source(%arg9 : memref<32x64xf32, #tpu.memory_space<vmem>>) target(%dma_start3A_44 : memref<10000x64xf32, #tpu.memory_space<vmem_shared>>) offsets(%arg13 : memref<32xi32, #tpu.memory_space<vmem>>) semaphore(%run_scoped3A : memref<!tpu.dma_semaphore, #tpu.memory_space<semaphore_mem>>) {add = true}
      %dma_wait3A = arith.constant 0 : i32
      %dma_wait3A_45 = arith.constant 0 : i32
      %dma_wait3A_46 = tpu.memref_slice %arg14[%dma_wait3A, %dma_wait3A_45] : memref<10000x64xf32, #tpu.memory_space<vmem_shared>> -> memref<10000x64xf32, #tpu.memory_space<vmem_shared>>
      tpu.wait_indirect_dma semaphore(%run_scoped3A : memref<!tpu.dma_semaphore, #tpu.memory_space<semaphore_mem>>) src(%arg9 : memref<32x64xf32, #tpu.memory_space<vmem>>) dst(%dma_wait3A_46 : memref<10000x64xf32, #tpu.memory_space<vmem_shared>>)
      tpu.yield
    }) : () -> ()
    %barrier3A_37 = arith.constant 0 : index
    tpu.barrier barrier_id(%barrier3A_37)
    %mul3A_38 = arith.constant 624 : i32
    %mul3A_39 = arith.muli %arg1, %mul3A_38 : i32
    "tpu.region"() ({
      %run_scoped3A = tpu.sem_alloc : memref<!tpu.dma_semaphore, #tpu.memory_space<semaphore_mem>>
      %dma_start3A = arith.constant 0 : i32
      %dma_start3A_43 = tpu.memref_slice %arg6[%arg0, %mul3A_39, %dma_start3A] : memref<2x10000x64xf32, #tpu.memory_space<hbm>> -> memref<1x624x64xf32, #tpu.memory_space<hbm>>
      %dma_start3A_44 = tpu.memref_squeeze %dma_start3A_43 : memref<1x624x64xf32, #tpu.memory_space<hbm>> -> memref<624x64xf32, #tpu.memory_space<hbm>>
      %dma_start3A_45 = arith.constant 0 : i32
      %dma_start3A_46 = tpu.memref_slice %arg14[%mul3A_39, %dma_start3A_45] : memref<10000x64xf32, #tpu.memory_space<vmem_shared>> -> memref<624x64xf32, #tpu.memory_space<vmem_shared>>
      tpu.enqueue_dma source(%dma_start3A_46 : memref<624x64xf32, #tpu.memory_space<vmem_shared>>) target(%dma_start3A_44 : memref<624x64xf32, #tpu.memory_space<hbm>>) target_semaphore(%run_scoped3A : memref<!tpu.dma_semaphore, #tpu.memory_space<semaphore_mem>>)
      %dma_wait3A = arith.constant 0 : i32
      %dma_wait3A_47 = tpu.memref_slice %arg6[%arg0, %mul3A_39, %dma_wait3A] : memref<2x10000x64xf32, #tpu.memory_space<hbm>> -> memref<1x624x64xf32, #tpu.memory_space<hbm>>
      %dma_wait3A_48 = tpu.memref_squeeze %dma_wait3A_47 : memref<1x624x64xf32, #tpu.memory_space<hbm>> -> memref<624x64xf32, #tpu.memory_space<hbm>>
      %dma_wait3A_49 = arith.constant 0 : i32
      %dma_wait3A_50 = tpu.memref_slice %arg14[%mul3A_39, %dma_wait3A_49] : memref<10000x64xf32, #tpu.memory_space<vmem_shared>> -> memref<624x64xf32, #tpu.memory_space<vmem_shared>>
      tpu.wait_dma2 semaphore(%run_scoped3A : memref<!tpu.dma_semaphore, #tpu.memory_space<semaphore_mem>>) src(%dma_wait3A_50 : memref<624x64xf32, #tpu.memory_space<vmem_shared>>) dst(%dma_wait3A_48 : memref<624x64xf32, #tpu.memory_space<hbm>>)
      tpu.yield
    }) : () -> ()
    %convert_element_type3A_40 = arith.extui %eq3A_2 : i1 to i32
    %cond3A_41 = arith.constant 0 : i32
    %cond3A_42 = arith.cmpi ne, %convert_element_type3A_40, %cond3A_41 : i32
    scf.if %cond3A_42 {
      "tpu.region"() ({
        %run_scoped3A = tpu.sem_alloc : memref<!tpu.dma_semaphore, #tpu.memory_space<semaphore_mem>>
        %dma_start3A = arith.constant 9984 : i32
        %dma_start3A_43 = arith.constant 0 : i32
        %dma_start3A_44 = tpu.memref_slice %arg6[%arg0, %dma_start3A, %dma_start3A_43] : memref<2x10000x64xf32, #tpu.memory_space<hbm>> -> memref<1x16x64xf32, #tpu.memory_space<hbm>>
        %dma_start3A_45 = tpu.memref_squeeze %dma_start3A_44 : memref<1x16x64xf32, #tpu.memory_space<hbm>> -> memref<16x64xf32, #tpu.memory_space<hbm>>
        %dma_start3A_46 = arith.constant 9984 : i32
        %dma_start3A_47 = arith.constant 0 : i32
        %dma_start3A_48 = tpu.memref_slice %arg14[%dma_start3A_46, %dma_start3A_47] : memref<10000x64xf32, #tpu.memory_space<vmem_shared>> -> memref<16x64xf32, #tpu.memory_space<vmem_shared>>
        tpu.enqueue_dma source(%dma_start3A_48 : memref<16x64xf32, #tpu.memory_space<vmem_shared>>) target(%dma_start3A_45 : memref<16x64xf32, #tpu.memory_space<hbm>>) target_semaphore(%run_scoped3A : memref<!tpu.dma_semaphore, #tpu.memory_space<semaphore_mem>>)
        %dma_wait3A = arith.constant 9984 : i32
        %dma_wait3A_49 = arith.constant 0 : i32
        %dma_wait3A_50 = tpu.memref_slice %arg6[%arg0, %dma_wait3A, %dma_wait3A_49] : memref<2x10000x64xf32, #tpu.memory_space<hbm>> -> memref<1x16x64xf32, #tpu.memory_space<hbm>>
        %dma_wait3A_51 = tpu.memref_squeeze %dma_wait3A_50 : memref<1x16x64xf32, #tpu.memory_space<hbm>> -> memref<16x64xf32, #tpu.memory_space<hbm>>
        %dma_wait3A_52 = arith.constant 9984 : i32
        %dma_wait3A_53 = arith.constant 0 : i32
        %dma_wait3A_54 = tpu.memref_slice %arg14[%dma_wait3A_52, %dma_wait3A_53] : memref<10000x64xf32, #tpu.memory_space<vmem_shared>> -> memref<16x64xf32, #tpu.memory_space<vmem_shared>>
        tpu.wait_dma2 semaphore(%run_scoped3A : memref<!tpu.dma_semaphore, #tpu.memory_space<semaphore_mem>>) src(%dma_wait3A_54 : memref<16x64xf32, #tpu.memory_space<vmem_shared>>) dst(%dma_wait3A_51 : memref<16x64xf32, #tpu.memory_space<hbm>>)
        tpu.yield
      }) : () -> ()
    } else {
    }
    return
  }
}

#map = affine_map<(d0, d1) -> (0, 0)>
#map1 = affine_map<(d0, d1) -> (0)>
#map2 = affine_map<(d0, d1) -> (0, 0, 0)>
module attributes {stable_mosaic.version = 14 : i64} {
  func.func @_sc_agg_body(%arg0: i32, %arg1: i32, %arg2: memref<10000x64xf32, #tpu.memory_space<hbm>>, %arg3: memref<10000x64xf32, #tpu.memory_space<hbm>>, %arg4: memref<320000xi32, #tpu.memory_space<hbm>>, %arg5: memref<320000xi32, #tpu.memory_space<hbm>>, %arg6: memref<2x10000x64xf32, #tpu.memory_space<hbm>>, %arg7: memref<10000x16xf32, #tpu.memory_space<hbm>>, %arg8: memref<208x64xf32, #tpu.memory_space<vmem>>, %arg9: memref<208x16xf32, #tpu.memory_space<vmem>>, %arg10: memref<128x64xf32, #tpu.memory_space<vmem>>, %arg11: memref<32x64xf32, #tpu.memory_space<vmem>>, %arg12: memref<128x16xf32, #tpu.memory_space<vmem>>, %arg13: memref<32x16xf32, #tpu.memory_space<vmem>>, %arg14: memref<128xi32, #tpu.memory_space<vmem>>, %arg15: memref<128xi32, #tpu.memory_space<vmem>>, %arg16: memref<32xi32, #tpu.memory_space<vmem>>, %arg17: memref<32xi32, #tpu.memory_space<vmem>>, %arg18: memref<10000x64xf32, #tpu.memory_space<vmem_shared>>, %arg19: memref<10000x16xf32, #tpu.memory_space<vmem_shared>>, %arg20: memref<!tpu.dma_semaphore, #tpu.memory_space<semaphore_mem>>) attributes {dimension_semantics = [#tpu.dimension_semantics<core_parallel>, #tpu.dimension_semantics<subcore_parallel>], iteration_bounds = array<i64: 2, 16>, scalar_prefetch = 0 : i64, scratch_operands = 13 : i64, tpu.core_type = #tpu.core_type<sc_vector_subcore>, window_params = [{transform_indices = #map}, {transform_indices = #map}, {transform_indices = #map1}, {transform_indices = #map1}, {transform_indices = #map2}, {transform_indices = #map}]} {
    %eq3A = arith.constant 0 : i32
    %eq3A_0 = arith.cmpi eq, %arg0, %eq3A : i32
    %eq3A_1 = arith.constant 15 : i32
    %eq3A_2 = arith.cmpi eq, %arg1, %eq3A_1 : i32
    %broadcast_in_dim3A = arith.constant 0.000000e+00 : f32
    %broadcast_in_dim3A_3 = vector.broadcast %broadcast_in_dim3A : f32 to vector<16xf32>
    %scan3A = arith.constant 0 : i32
    %scan3A_4 = arith.constant 0 : i32
    %scan3A_5 = arith.constant 208 : i32
    %scan3A_6 = arith.addi %scan3A_4, %scan3A_5 : i32
    %scan3A_7 = arith.constant 1 : i32
    scf.for %scan3A_91 = %scan3A_4 to %scan3A_6 step %scan3A_7  : i32 {
      %swap3A = arith.index_cast %scan3A_91 : i32 to index
      %swap3A_92 = arith.constant 0 : index
      %swap3A_93 = tpu.vector_load %arg8[%swap3A, %swap3A_92] {strides = array<i32>} : memref<208x64xf32, #tpu.memory_space<vmem>>, vector<1x16xf32>,
      %swap3A_94 = vector.shape_cast %swap3A_93 : vector<1x16xf32> to vector<16xf32>
      %swap3A_95 = vector.shape_cast %broadcast_in_dim3A_3 : vector<16xf32> to vector<1x16xf32>
      tpu.vector_store %arg8[%swap3A, %swap3A_92], %swap3A_95 {strides = array<i32>} : memref<208x64xf32, #tpu.memory_space<vmem>>, vector<1x16xf32>,
      %swap3A_96 = arith.index_cast %scan3A_91 : i32 to index
      %swap3A_97 = arith.constant 16 : index
      %swap3A_98 = tpu.vector_load %arg8[%swap3A_96, %swap3A_97] {strides = array<i32>} : memref<208x64xf32, #tpu.memory_space<vmem>>, vector<1x16xf32>,
      %swap3A_99 = vector.shape_cast %swap3A_98 : vector<1x16xf32> to vector<16xf32>
      %swap3A_100 = vector.shape_cast %broadcast_in_dim3A_3 : vector<16xf32> to vector<1x16xf32>
      tpu.vector_store %arg8[%swap3A_96, %swap3A_97], %swap3A_100 {strides = array<i32>} : memref<208x64xf32, #tpu.memory_space<vmem>>, vector<1x16xf32>,
      %swap3A_101 = arith.index_cast %scan3A_91 : i32 to index
      %swap3A_102 = arith.constant 32 : index
      %swap3A_103 = tpu.vector_load %arg8[%swap3A_101, %swap3A_102] {strides = array<i32>} : memref<208x64xf32, #tpu.memory_space<vmem>>, vector<1x16xf32>,
      %swap3A_104 = vector.shape_cast %swap3A_103 : vector<1x16xf32> to vector<16xf32>
      %swap3A_105 = vector.shape_cast %broadcast_in_dim3A_3 : vector<16xf32> to vector<1x16xf32>
      tpu.vector_store %arg8[%swap3A_101, %swap3A_102], %swap3A_105 {strides = array<i32>} : memref<208x64xf32, #tpu.memory_space<vmem>>, vector<1x16xf32>,
      %swap3A_106 = arith.index_cast %scan3A_91 : i32 to index
      %swap3A_107 = arith.constant 48 : index
      %swap3A_108 = tpu.vector_load %arg8[%swap3A_106, %swap3A_107] {strides = array<i32>} : memref<208x64xf32, #tpu.memory_space<vmem>>, vector<1x16xf32>,
      %swap3A_109 = vector.shape_cast %swap3A_108 : vector<1x16xf32> to vector<16xf32>
      %swap3A_110 = vector.shape_cast %broadcast_in_dim3A_3 : vector<16xf32> to vector<1x16xf32>
      tpu.vector_store %arg8[%swap3A_106, %swap3A_107], %swap3A_110 {strides = array<i32>} : memref<208x64xf32, #tpu.memory_space<vmem>>, vector<1x16xf32>,
    }
    %scan3A_8 = arith.constant 208 : i32
    %mul3A = arith.constant 624 : i32
    %mul3A_9 = arith.muli %arg1, %mul3A : i32
    %add3A = arith.constant 0 : i32
    %add3A_10 = arith.addi %mul3A_9, %add3A : i32
    "tpu.region"() ({
      %run_scoped3A = tpu.sem_alloc : memref<!tpu.dma_semaphore, #tpu.memory_space<semaphore_mem>>
      %dma_start3A = arith.constant 0 : i32
      %dma_start3A_91 = tpu.memref_slice %arg18[%add3A_10, %dma_start3A] : memref<10000x64xf32, #tpu.memory_space<vmem_shared>> -> memref<208x64xf32, #tpu.memory_space<vmem_shared>>
      %dma_start3A_92 = arith.constant 0 : i32
      %dma_start3A_93 = tpu.memref_slice %arg18[%add3A_10, %dma_start3A_92] : memref<10000x64xf32, #tpu.memory_space<vmem_shared>> -> memref<208x64xf32, #tpu.memory_space<vmem_shared>>
      tpu.enqueue_dma source(%arg8 : memref<208x64xf32, #tpu.memory_space<vmem>>) target(%dma_start3A_93 : memref<208x64xf32, #tpu.memory_space<vmem_shared>>) target_semaphore(%run_scoped3A : memref<!tpu.dma_semaphore, #tpu.memory_space<semaphore_mem>>)
      %dma_wait3A = arith.constant 0 : i32
      %dma_wait3A_94 = tpu.memref_slice %arg18[%add3A_10, %dma_wait3A] : memref<10000x64xf32, #tpu.memory_space<vmem_shared>> -> memref<208x64xf32, #tpu.memory_space<vmem_shared>>
      %dma_wait3A_95 = arith.constant 0 : i32
      %dma_wait3A_96 = tpu.memref_slice %arg18[%add3A_10, %dma_wait3A_95] : memref<10000x64xf32, #tpu.memory_space<vmem_shared>> -> memref<208x64xf32, #tpu.memory_space<vmem_shared>>
      tpu.wait_dma2 semaphore(%run_scoped3A : memref<!tpu.dma_semaphore, #tpu.memory_space<semaphore_mem>>) src(%arg8 : memref<208x64xf32, #tpu.memory_space<vmem>>) dst(%dma_wait3A_96 : memref<208x64xf32, #tpu.memory_space<vmem_shared>>)
      tpu.yield
    }) : () -> ()
    %mul3A_11 = arith.constant 624 : i32
    %mul3A_12 = arith.muli %arg1, %mul3A_11 : i32
    %add3A_13 = arith.constant 208 : i32
    %add3A_14 = arith.addi %mul3A_12, %add3A_13 : i32
    "tpu.region"() ({
      %run_scoped3A = tpu.sem_alloc : memref<!tpu.dma_semaphore, #tpu.memory_space<semaphore_mem>>
      %dma_start3A = arith.constant 0 : i32
      %dma_start3A_91 = tpu.memref_slice %arg18[%add3A_14, %dma_start3A] : memref<10000x64xf32, #tpu.memory_space<vmem_shared>> -> memref<208x64xf32, #tpu.memory_space<vmem_shared>>
      %dma_start3A_92 = arith.constant 0 : i32
      %dma_start3A_93 = tpu.memref_slice %arg18[%add3A_14, %dma_start3A_92] : memref<10000x64xf32, #tpu.memory_space<vmem_shared>> -> memref<208x64xf32, #tpu.memory_space<vmem_shared>>
      tpu.enqueue_dma source(%arg8 : memref<208x64xf32, #tpu.memory_space<vmem>>) target(%dma_start3A_93 : memref<208x64xf32, #tpu.memory_space<vmem_shared>>) target_semaphore(%run_scoped3A : memref<!tpu.dma_semaphore, #tpu.memory_space<semaphore_mem>>)
      %dma_wait3A = arith.constant 0 : i32
      %dma_wait3A_94 = tpu.memref_slice %arg18[%add3A_14, %dma_wait3A] : memref<10000x64xf32, #tpu.memory_space<vmem_shared>> -> memref<208x64xf32, #tpu.memory_space<vmem_shared>>
      %dma_wait3A_95 = arith.constant 0 : i32
      %dma_wait3A_96 = tpu.memref_slice %arg18[%add3A_14, %dma_wait3A_95] : memref<10000x64xf32, #tpu.memory_space<vmem_shared>> -> memref<208x64xf32, #tpu.memory_space<vmem_shared>>
      tpu.wait_dma2 semaphore(%run_scoped3A : memref<!tpu.dma_semaphore, #tpu.memory_space<semaphore_mem>>) src(%arg8 : memref<208x64xf32, #tpu.memory_space<vmem>>) dst(%dma_wait3A_96 : memref<208x64xf32, #tpu.memory_space<vmem_shared>>)
      tpu.yield
    }) : () -> ()
    %mul3A_15 = arith.constant 624 : i32
    %mul3A_16 = arith.muli %arg1, %mul3A_15 : i32
    %add3A_17 = arith.constant 416 : i32
    %add3A_18 = arith.addi %mul3A_16, %add3A_17 : i32
    "tpu.region"() ({
      %run_scoped3A = tpu.sem_alloc : memref<!tpu.dma_semaphore, #tpu.memory_space<semaphore_mem>>
      %dma_start3A = arith.constant 0 : i32
      %dma_start3A_91 = tpu.memref_slice %arg18[%add3A_18, %dma_start3A] : memref<10000x64xf32, #tpu.memory_space<vmem_shared>> -> memref<208x64xf32, #tpu.memory_space<vmem_shared>>
      %dma_start3A_92 = arith.constant 0 : i32
      %dma_start3A_93 = tpu.memref_slice %arg18[%add3A_18, %dma_start3A_92] : memref<10000x64xf32, #tpu.memory_space<vmem_shared>> -> memref<208x64xf32, #tpu.memory_space<vmem_shared>>
      tpu.enqueue_dma source(%arg8 : memref<208x64xf32, #tpu.memory_space<vmem>>) target(%dma_start3A_93 : memref<208x64xf32, #tpu.memory_space<vmem_shared>>) target_semaphore(%run_scoped3A : memref<!tpu.dma_semaphore, #tpu.memory_space<semaphore_mem>>)
      %dma_wait3A = arith.constant 0 : i32
      %dma_wait3A_94 = tpu.memref_slice %arg18[%add3A_18, %dma_wait3A] : memref<10000x64xf32, #tpu.memory_space<vmem_shared>> -> memref<208x64xf32, #tpu.memory_space<vmem_shared>>
      %dma_wait3A_95 = arith.constant 0 : i32
      %dma_wait3A_96 = tpu.memref_slice %arg18[%add3A_18, %dma_wait3A_95] : memref<10000x64xf32, #tpu.memory_space<vmem_shared>> -> memref<208x64xf32, #tpu.memory_space<vmem_shared>>
      tpu.wait_dma2 semaphore(%run_scoped3A : memref<!tpu.dma_semaphore, #tpu.memory_space<semaphore_mem>>) src(%arg8 : memref<208x64xf32, #tpu.memory_space<vmem>>) dst(%dma_wait3A_96 : memref<208x64xf32, #tpu.memory_space<vmem_shared>>)
      tpu.yield
    }) : () -> ()
    %convert_element_type3A = arith.extui %eq3A_2 : i1 to i32
    %cond3A = arith.constant 0 : i32
    %cond3A_19 = arith.cmpi ne, %convert_element_type3A, %cond3A : i32
    scf.if %cond3A_19 {
      "tpu.region"() ({
        %run_scoped3A = tpu.sem_alloc : memref<!tpu.dma_semaphore, #tpu.memory_space<semaphore_mem>>
        %dma_start3A = arith.constant 0 : i32
        %dma_start3A_91 = arith.constant 0 : i32
        %dma_start3A_92 = tpu.memref_slice %arg8[%dma_start3A, %dma_start3A_91] : memref<208x64xf32, #tpu.memory_space<vmem>> -> memref<16x64xf32, #tpu.memory_space<vmem>>
        %dma_start3A_93 = arith.constant 9984 : i32
        %dma_start3A_94 = arith.constant 0 : i32
        %dma_start3A_95 = tpu.memref_slice %arg18[%dma_start3A_93, %dma_start3A_94] : memref<10000x64xf32, #tpu.memory_space<vmem_shared>> -> memref<16x64xf32, #tpu.memory_space<vmem_shared>>
        %dma_start3A_96 = arith.constant 9984 : i32
        %dma_start3A_97 = arith.constant 0 : i32
        %dma_start3A_98 = tpu.memref_slice %arg18[%dma_start3A_96, %dma_start3A_97] : memref<10000x64xf32, #tpu.memory_space<vmem_shared>> -> memref<16x64xf32, #tpu.memory_space<vmem_shared>>
        %dma_start3A_99 = arith.constant 0 : i32
        %dma_start3A_100 = arith.constant 0 : i32
        %dma_start3A_101 = tpu.memref_slice %arg8[%dma_start3A_99, %dma_start3A_100] : memref<208x64xf32, #tpu.memory_space<vmem>> -> memref<16x64xf32, #tpu.memory_space<vmem>>
        tpu.enqueue_dma source(%dma_start3A_101 : memref<16x64xf32, #tpu.memory_space<vmem>>) target(%dma_start3A_98 : memref<16x64xf32, #tpu.memory_space<vmem_shared>>) target_semaphore(%run_scoped3A : memref<!tpu.dma_semaphore, #tpu.memory_space<semaphore_mem>>)
        %dma_wait3A = arith.constant 0 : i32
        %dma_wait3A_102 = arith.constant 0 : i32
        %dma_wait3A_103 = tpu.memref_slice %arg8[%dma_wait3A, %dma_wait3A_102] : memref<208x64xf32, #tpu.memory_space<vmem>> -> memref<16x64xf32, #tpu.memory_space<vmem>>
        %dma_wait3A_104 = arith.constant 9984 : i32
        %dma_wait3A_105 = arith.constant 0 : i32
        %dma_wait3A_106 = tpu.memref_slice %arg18[%dma_wait3A_104, %dma_wait3A_105] : memref<10000x64xf32, #tpu.memory_space<vmem_shared>> -> memref<16x64xf32, #tpu.memory_space<vmem_shared>>
        %dma_wait3A_107 = arith.constant 9984 : i32
        %dma_wait3A_108 = arith.constant 0 : i32
        %dma_wait3A_109 = tpu.memref_slice %arg18[%dma_wait3A_107, %dma_wait3A_108] : memref<10000x64xf32, #tpu.memory_space<vmem_shared>> -> memref<16x64xf32, #tpu.memory_space<vmem_shared>>
        %dma_wait3A_110 = arith.constant 0 : i32
        %dma_wait3A_111 = arith.constant 0 : i32
        %dma_wait3A_112 = tpu.memref_slice %arg8[%dma_wait3A_110, %dma_wait3A_111] : memref<208x64xf32, #tpu.memory_space<vmem>> -> memref<16x64xf32, #tpu.memory_space<vmem>>
        tpu.wait_dma2 semaphore(%run_scoped3A : memref<!tpu.dma_semaphore, #tpu.memory_space<semaphore_mem>>) src(%dma_wait3A_112 : memref<16x64xf32, #tpu.memory_space<vmem>>) dst(%dma_wait3A_109 : memref<16x64xf32, #tpu.memory_space<vmem_shared>>)
        tpu.yield
      }) : () -> ()
    } else {
    }
    %broadcast_in_dim3A_20 = arith.constant 0.000000e+00 : f32
    %broadcast_in_dim3A_21 = vector.broadcast %broadcast_in_dim3A_20 : f32 to vector<16xf32>
    %scan3A_22 = arith.constant 0 : i32
    %scan3A_23 = arith.constant 0 : i32
    %scan3A_24 = arith.constant 208 : i32
    %scan3A_25 = arith.addi %scan3A_23, %scan3A_24 : i32
    %scan3A_26 = arith.constant 1 : i32
    scf.for %scan3A_91 = %scan3A_23 to %scan3A_25 step %scan3A_26  : i32 {
      %swap3A = arith.index_cast %scan3A_91 : i32 to index
      %swap3A_92 = arith.constant 0 : index
      %swap3A_93 = tpu.vector_load %arg9[%swap3A, %swap3A_92] {strides = array<i32>} : memref<208x16xf32, #tpu.memory_space<vmem>>, vector<1x16xf32>,
      %swap3A_94 = vector.shape_cast %swap3A_93 : vector<1x16xf32> to vector<16xf32>
      %swap3A_95 = vector.shape_cast %broadcast_in_dim3A_21 : vector<16xf32> to vector<1x16xf32>
      tpu.vector_store %arg9[%swap3A, %swap3A_92], %swap3A_95 {strides = array<i32>} : memref<208x16xf32, #tpu.memory_space<vmem>>, vector<1x16xf32>,
    }
    %scan3A_27 = arith.constant 208 : i32
    %broadcast_in_dim3A_28 = arith.constant 1.000000e+00 : f32
    %broadcast_in_dim3A_29 = vector.broadcast %broadcast_in_dim3A_28 : f32 to vector<16xf32>
    %scan3A_30 = arith.constant 0 : i32
    %scan3A_31 = arith.constant 0 : i32
    %scan3A_32 = arith.constant 128 : i32
    %scan3A_33 = arith.addi %scan3A_31, %scan3A_32 : i32
    %scan3A_34 = arith.constant 1 : i32
    scf.for %scan3A_91 = %scan3A_31 to %scan3A_33 step %scan3A_34  : i32 {
      %swap3A = arith.index_cast %scan3A_91 : i32 to index
      %swap3A_92 = arith.constant 0 : index
      %swap3A_93 = tpu.vector_load %arg12[%swap3A, %swap3A_92] {strides = array<i32>} : memref<128x16xf32, #tpu.memory_space<vmem>>, vector<1x16xf32>,
      %swap3A_94 = vector.shape_cast %swap3A_93 : vector<1x16xf32> to vector<16xf32>
      %swap3A_95 = vector.shape_cast %broadcast_in_dim3A_29 : vector<16xf32> to vector<1x16xf32>
      tpu.vector_store %arg12[%swap3A, %swap3A_92], %swap3A_95 {strides = array<i32>} : memref<128x16xf32, #tpu.memory_space<vmem>>, vector<1x16xf32>,
    }
    %scan3A_35 = arith.constant 128 : i32
    %broadcast_in_dim3A_36 = arith.constant 1.000000e+00 : f32
    %broadcast_in_dim3A_37 = vector.broadcast %broadcast_in_dim3A_36 : f32 to vector<16xf32>
    %scan3A_38 = arith.constant 0 : i32
    %scan3A_39 = arith.constant 0 : i32
    %scan3A_40 = arith.constant 32 : i32
    %scan3A_41 = arith.addi %scan3A_39, %scan3A_40 : i32
    %scan3A_42 = arith.constant 1 : i32
    scf.for %scan3A_91 = %scan3A_39 to %scan3A_41 step %scan3A_42  : i32 {
      %swap3A = arith.index_cast %scan3A_91 : i32 to index
      %swap3A_92 = arith.constant 0 : index
      %swap3A_93 = tpu.vector_load %arg13[%swap3A, %swap3A_92] {strides = array<i32>} : memref<32x16xf32, #tpu.memory_space<vmem>>, vector<1x16xf32>,
      %swap3A_94 = vector.shape_cast %swap3A_93 : vector<1x16xf32> to vector<16xf32>
      %swap3A_95 = vector.shape_cast %broadcast_in_dim3A_37 : vector<16xf32> to vector<1x16xf32>
      tpu.vector_store %arg13[%swap3A, %swap3A_92], %swap3A_95 {strides = array<i32>} : memref<32x16xf32, #tpu.memory_space<vmem>>, vector<1x16xf32>,
    }
    %scan3A_43 = arith.constant 32 : i32
    %mul3A_44 = arith.constant 624 : i32
    %mul3A_45 = arith.muli %arg1, %mul3A_44 : i32
    %add3A_46 = arith.constant 0 : i32
    %add3A_47 = arith.addi %mul3A_45, %add3A_46 : i32
    "tpu.region"() ({
      %run_scoped3A = tpu.sem_alloc : memref<!tpu.dma_semaphore, #tpu.memory_space<semaphore_mem>>
      %dma_start3A = arith.constant 0 : i32
      %dma_start3A_91 = tpu.memref_slice %arg19[%add3A_47, %dma_start3A] : memref<10000x16xf32, #tpu.memory_space<vmem_shared>> -> memref<208x16xf32, #tpu.memory_space<vmem_shared>>
      %dma_start3A_92 = arith.constant 0 : i32
      %dma_start3A_93 = tpu.memref_slice %arg19[%add3A_47, %dma_start3A_92] : memref<10000x16xf32, #tpu.memory_space<vmem_shared>> -> memref<208x16xf32, #tpu.memory_space<vmem_shared>>
      tpu.enqueue_dma source(%arg9 : memref<208x16xf32, #tpu.memory_space<vmem>>) target(%dma_start3A_93 : memref<208x16xf32, #tpu.memory_space<vmem_shared>>) target_semaphore(%run_scoped3A : memref<!tpu.dma_semaphore, #tpu.memory_space<semaphore_mem>>)
      %dma_wait3A = arith.constant 0 : i32
      %dma_wait3A_94 = tpu.memref_slice %arg19[%add3A_47, %dma_wait3A] : memref<10000x16xf32, #tpu.memory_space<vmem_shared>> -> memref<208x16xf32, #tpu.memory_space<vmem_shared>>
      %dma_wait3A_95 = arith.constant 0 : i32
      %dma_wait3A_96 = tpu.memref_slice %arg19[%add3A_47, %dma_wait3A_95] : memref<10000x16xf32, #tpu.memory_space<vmem_shared>> -> memref<208x16xf32, #tpu.memory_space<vmem_shared>>
      tpu.wait_dma2 semaphore(%run_scoped3A : memref<!tpu.dma_semaphore, #tpu.memory_space<semaphore_mem>>) src(%arg9 : memref<208x16xf32, #tpu.memory_space<vmem>>) dst(%dma_wait3A_96 : memref<208x16xf32, #tpu.memory_space<vmem_shared>>)
      tpu.yield
    }) : () -> ()
    %mul3A_48 = arith.constant 624 : i32
    %mul3A_49 = arith.muli %arg1, %mul3A_48 : i32
    %add3A_50 = arith.constant 208 : i32
    %add3A_51 = arith.addi %mul3A_49, %add3A_50 : i32
    "tpu.region"() ({
      %run_scoped3A = tpu.sem_alloc : memref<!tpu.dma_semaphore, #tpu.memory_space<semaphore_mem>>
      %dma_start3A = arith.constant 0 : i32
      %dma_start3A_91 = tpu.memref_slice %arg19[%add3A_51, %dma_start3A] : memref<10000x16xf32, #tpu.memory_space<vmem_shared>> -> memref<208x16xf32, #tpu.memory_space<vmem_shared>>
      %dma_start3A_92 = arith.constant 0 : i32
      %dma_start3A_93 = tpu.memref_slice %arg19[%add3A_51, %dma_start3A_92] : memref<10000x16xf32, #tpu.memory_space<vmem_shared>> -> memref<208x16xf32, #tpu.memory_space<vmem_shared>>
      tpu.enqueue_dma source(%arg9 : memref<208x16xf32, #tpu.memory_space<vmem>>) target(%dma_start3A_93 : memref<208x16xf32, #tpu.memory_space<vmem_shared>>) target_semaphore(%run_scoped3A : memref<!tpu.dma_semaphore, #tpu.memory_space<semaphore_mem>>)
      %dma_wait3A = arith.constant 0 : i32
      %dma_wait3A_94 = tpu.memref_slice %arg19[%add3A_51, %dma_wait3A] : memref<10000x16xf32, #tpu.memory_space<vmem_shared>> -> memref<208x16xf32, #tpu.memory_space<vmem_shared>>
      %dma_wait3A_95 = arith.constant 0 : i32
      %dma_wait3A_96 = tpu.memref_slice %arg19[%add3A_51, %dma_wait3A_95] : memref<10000x16xf32, #tpu.memory_space<vmem_shared>> -> memref<208x16xf32, #tpu.memory_space<vmem_shared>>
      tpu.wait_dma2 semaphore(%run_scoped3A : memref<!tpu.dma_semaphore, #tpu.memory_space<semaphore_mem>>) src(%arg9 : memref<208x16xf32, #tpu.memory_space<vmem>>) dst(%dma_wait3A_96 : memref<208x16xf32, #tpu.memory_space<vmem_shared>>)
      tpu.yield
    }) : () -> ()
    %mul3A_52 = arith.constant 624 : i32
    %mul3A_53 = arith.muli %arg1, %mul3A_52 : i32
    %add3A_54 = arith.constant 416 : i32
    %add3A_55 = arith.addi %mul3A_53, %add3A_54 : i32
    "tpu.region"() ({
      %run_scoped3A = tpu.sem_alloc : memref<!tpu.dma_semaphore, #tpu.memory_space<semaphore_mem>>
      %dma_start3A = arith.constant 0 : i32
      %dma_start3A_91 = tpu.memref_slice %arg19[%add3A_55, %dma_start3A] : memref<10000x16xf32, #tpu.memory_space<vmem_shared>> -> memref<208x16xf32, #tpu.memory_space<vmem_shared>>
      %dma_start3A_92 = arith.constant 0 : i32
      %dma_start3A_93 = tpu.memref_slice %arg19[%add3A_55, %dma_start3A_92] : memref<10000x16xf32, #tpu.memory_space<vmem_shared>> -> memref<208x16xf32, #tpu.memory_space<vmem_shared>>
      tpu.enqueue_dma source(%arg9 : memref<208x16xf32, #tpu.memory_space<vmem>>) target(%dma_start3A_93 : memref<208x16xf32, #tpu.memory_space<vmem_shared>>) target_semaphore(%run_scoped3A : memref<!tpu.dma_semaphore, #tpu.memory_space<semaphore_mem>>)
      %dma_wait3A = arith.constant 0 : i32
      %dma_wait3A_94 = tpu.memref_slice %arg19[%add3A_55, %dma_wait3A] : memref<10000x16xf32, #tpu.memory_space<vmem_shared>> -> memref<208x16xf32, #tpu.memory_space<vmem_shared>>
      %dma_wait3A_95 = arith.constant 0 : i32
      %dma_wait3A_96 = tpu.memref_slice %arg19[%add3A_55, %dma_wait3A_95] : memref<10000x16xf32, #tpu.memory_space<vmem_shared>> -> memref<208x16xf32, #tpu.memory_space<vmem_shared>>
      tpu.wait_dma2 semaphore(%run_scoped3A : memref<!tpu.dma_semaphore, #tpu.memory_space<semaphore_mem>>) src(%arg9 : memref<208x16xf32, #tpu.memory_space<vmem>>) dst(%dma_wait3A_96 : memref<208x16xf32, #tpu.memory_space<vmem_shared>>)
      tpu.yield
    }) : () -> ()
    %convert_element_type3A_56 = arith.extui %eq3A_2 : i1 to i32
    %cond3A_57 = arith.constant 0 : i32
    %cond3A_58 = arith.cmpi ne, %convert_element_type3A_56, %cond3A_57 : i32
    scf.if %cond3A_58 {
      "tpu.region"() ({
        %run_scoped3A = tpu.sem_alloc : memref<!tpu.dma_semaphore, #tpu.memory_space<semaphore_mem>>
        %dma_start3A = arith.constant 0 : i32
        %dma_start3A_91 = arith.constant 0 : i32
        %dma_start3A_92 = tpu.memref_slice %arg9[%dma_start3A, %dma_start3A_91] : memref<208x16xf32, #tpu.memory_space<vmem>> -> memref<16x16xf32, #tpu.memory_space<vmem>>
        %dma_start3A_93 = arith.constant 9984 : i32
        %dma_start3A_94 = arith.constant 0 : i32
        %dma_start3A_95 = tpu.memref_slice %arg19[%dma_start3A_93, %dma_start3A_94] : memref<10000x16xf32, #tpu.memory_space<vmem_shared>> -> memref<16x16xf32, #tpu.memory_space<vmem_shared>>
        %dma_start3A_96 = arith.constant 9984 : i32
        %dma_start3A_97 = arith.constant 0 : i32
        %dma_start3A_98 = tpu.memref_slice %arg19[%dma_start3A_96, %dma_start3A_97] : memref<10000x16xf32, #tpu.memory_space<vmem_shared>> -> memref<16x16xf32, #tpu.memory_space<vmem_shared>>
        %dma_start3A_99 = arith.constant 0 : i32
        %dma_start3A_100 = arith.constant 0 : i32
        %dma_start3A_101 = tpu.memref_slice %arg9[%dma_start3A_99, %dma_start3A_100] : memref<208x16xf32, #tpu.memory_space<vmem>> -> memref<16x16xf32, #tpu.memory_space<vmem>>
        tpu.enqueue_dma source(%dma_start3A_101 : memref<16x16xf32, #tpu.memory_space<vmem>>) target(%dma_start3A_98 : memref<16x16xf32, #tpu.memory_space<vmem_shared>>) target_semaphore(%run_scoped3A : memref<!tpu.dma_semaphore, #tpu.memory_space<semaphore_mem>>)
        %dma_wait3A = arith.constant 0 : i32
        %dma_wait3A_102 = arith.constant 0 : i32
        %dma_wait3A_103 = tpu.memref_slice %arg9[%dma_wait3A, %dma_wait3A_102] : memref<208x16xf32, #tpu.memory_space<vmem>> -> memref<16x16xf32, #tpu.memory_space<vmem>>
        %dma_wait3A_104 = arith.constant 9984 : i32
        %dma_wait3A_105 = arith.constant 0 : i32
        %dma_wait3A_106 = tpu.memref_slice %arg19[%dma_wait3A_104, %dma_wait3A_105] : memref<10000x16xf32, #tpu.memory_space<vmem_shared>> -> memref<16x16xf32, #tpu.memory_space<vmem_shared>>
        %dma_wait3A_107 = arith.constant 9984 : i32
        %dma_wait3A_108 = arith.constant 0 : i32
        %dma_wait3A_109 = tpu.memref_slice %arg19[%dma_wait3A_107, %dma_wait3A_108] : memref<10000x16xf32, #tpu.memory_space<vmem_shared>> -> memref<16x16xf32, #tpu.memory_space<vmem_shared>>
        %dma_wait3A_110 = arith.constant 0 : i32
        %dma_wait3A_111 = arith.constant 0 : i32
        %dma_wait3A_112 = tpu.memref_slice %arg9[%dma_wait3A_110, %dma_wait3A_111] : memref<208x16xf32, #tpu.memory_space<vmem>> -> memref<16x16xf32, #tpu.memory_space<vmem>>
        tpu.wait_dma2 semaphore(%run_scoped3A : memref<!tpu.dma_semaphore, #tpu.memory_space<semaphore_mem>>) src(%dma_wait3A_112 : memref<16x16xf32, #tpu.memory_space<vmem>>) dst(%dma_wait3A_109 : memref<16x16xf32, #tpu.memory_space<vmem_shared>>)
        tpu.yield
      }) : () -> ()
    } else {
    }
    %barrier3A = arith.constant 0 : index
    tpu.barrier barrier_id(%barrier3A)
    %mul3A_59 = arith.constant 20000 : i32
    %mul3A_60 = arith.muli %arg1, %mul3A_59 : i32
    %scan3A_61 = arith.constant 0 : i32
    %scan3A_62 = arith.constant 0 : i32
    %scan3A_63 = arith.constant 156 : i32
    %scan3A_64 = arith.addi %scan3A_62, %scan3A_63 : i32
    %scan3A_65 = arith.constant 1 : i32
    scf.for %scan3A_91 = %scan3A_62 to %scan3A_64 step %scan3A_65  : i32 {
      %mul3A_92 = arith.constant 128 : i32
      %mul3A_93 = arith.muli %scan3A_91, %mul3A_92 : i32
      %add3A_94 = arith.addi %mul3A_60, %mul3A_93 : i32
      %multiple_of3A_95 = tpu.assume_multiple %add3A_94, 8 : i32
      "tpu.region"() ({
        %run_scoped3A = tpu.sem_alloc : memref<!tpu.dma_semaphore, #tpu.memory_space<semaphore_mem>>
        %dma_start3A = tpu.memref_slice %arg4[%multiple_of3A_95] : memref<320000xi32, #tpu.memory_space<hbm>> -> memref<128xi32, #tpu.memory_space<hbm>>
        %dma_start3A_107 = tpu.memref_slice %arg4[%multiple_of3A_95] : memref<320000xi32, #tpu.memory_space<hbm>> -> memref<128xi32, #tpu.memory_space<hbm>>
        tpu.enqueue_dma source(%dma_start3A_107 : memref<128xi32, #tpu.memory_space<hbm>>) target(%arg14 : memref<128xi32, #tpu.memory_space<vmem>>) target_semaphore(%run_scoped3A : memref<!tpu.dma_semaphore, #tpu.memory_space<semaphore_mem>>)
        %dma_wait3A = tpu.memref_slice %arg4[%multiple_of3A_95] : memref<320000xi32, #tpu.memory_space<hbm>> -> memref<128xi32, #tpu.memory_space<hbm>>
        %dma_wait3A_108 = tpu.memref_slice %arg4[%multiple_of3A_95] : memref<320000xi32, #tpu.memory_space<hbm>> -> memref<128xi32, #tpu.memory_space<hbm>>
        tpu.wait_dma2 semaphore(%run_scoped3A : memref<!tpu.dma_semaphore, #tpu.memory_space<semaphore_mem>>) src(%dma_wait3A_108 : memref<128xi32, #tpu.memory_space<hbm>>) dst(%arg14 : memref<128xi32, #tpu.memory_space<vmem>>)
        tpu.yield
      }) : () -> ()
      "tpu.region"() ({
        %run_scoped3A = tpu.sem_alloc : memref<!tpu.dma_semaphore, #tpu.memory_space<semaphore_mem>>
        %dma_start3A = tpu.memref_slice %arg5[%multiple_of3A_95] : memref<320000xi32, #tpu.memory_space<hbm>> -> memref<128xi32, #tpu.memory_space<hbm>>
        %dma_start3A_107 = tpu.memref_slice %arg5[%multiple_of3A_95] : memref<320000xi32, #tpu.memory_space<hbm>> -> memref<128xi32, #tpu.memory_space<hbm>>
        tpu.enqueue_dma source(%dma_start3A_107 : memref<128xi32, #tpu.memory_space<hbm>>) target(%arg15 : memref<128xi32, #tpu.memory_space<vmem>>) target_semaphore(%run_scoped3A : memref<!tpu.dma_semaphore, #tpu.memory_space<semaphore_mem>>)
        %dma_wait3A = tpu.memref_slice %arg5[%multiple_of3A_95] : memref<320000xi32, #tpu.memory_space<hbm>> -> memref<128xi32, #tpu.memory_space<hbm>>
        %dma_wait3A_108 = tpu.memref_slice %arg5[%multiple_of3A_95] : memref<320000xi32, #tpu.memory_space<hbm>> -> memref<128xi32, #tpu.memory_space<hbm>>
        tpu.wait_dma2 semaphore(%run_scoped3A : memref<!tpu.dma_semaphore, #tpu.memory_space<semaphore_mem>>) src(%dma_wait3A_108 : memref<128xi32, #tpu.memory_space<hbm>>) dst(%arg15 : memref<128xi32, #tpu.memory_space<vmem>>)
        tpu.yield
      }) : () -> ()
      %convert_element_type3A_96 = arith.extui %eq3A_0 : i1 to i32
      %cond3A_97 = arith.constant 0 : i32
      %cond3A_98 = arith.cmpi ne, %convert_element_type3A_96, %cond3A_97 : i32
      scf.if %cond3A_98 {
        %dma_start3A = arith.constant 0 : i32
        %dma_start3A_107 = arith.constant 0 : i32
        %dma_start3A_108 = tpu.memref_slice %arg2[%dma_start3A, %dma_start3A_107] : memref<10000x64xf32, #tpu.memory_space<hbm>> -> memref<10000x64xf32, #tpu.memory_space<hbm>>
        tpu.enqueue_indirect_dma source(%dma_start3A_108 : memref<10000x64xf32, #tpu.memory_space<hbm>>) target(%arg10 : memref<128x64xf32, #tpu.memory_space<vmem>>) offsets(%arg14 : memref<128xi32, #tpu.memory_space<vmem>>) semaphore(%arg20 : memref<!tpu.dma_semaphore, #tpu.memory_space<semaphore_mem>>)
        %dma_wait3A = arith.constant 0 : i32
        %dma_wait3A_109 = arith.constant 0 : i32
        %dma_wait3A_110 = tpu.memref_slice %arg2[%dma_wait3A, %dma_wait3A_109] : memref<10000x64xf32, #tpu.memory_space<hbm>> -> memref<10000x64xf32, #tpu.memory_space<hbm>>
        tpu.wait_indirect_dma semaphore(%arg20 : memref<!tpu.dma_semaphore, #tpu.memory_space<semaphore_mem>>) src(%dma_wait3A_110 : memref<10000x64xf32, #tpu.memory_space<hbm>>) dst(%arg10 : memref<128x64xf32, #tpu.memory_space<vmem>>)
      } else {
      }
      %not3A_99 = arith.constant true
      %not3A_100 = arith.xori %eq3A_0, %not3A_99 : i1
      %convert_element_type3A_101 = arith.extui %not3A_100 : i1 to i32
      %cond3A_102 = arith.constant 0 : i32
      %cond3A_103 = arith.cmpi ne, %convert_element_type3A_101, %cond3A_102 : i32
      scf.if %cond3A_103 {
        %dma_start3A = arith.constant 0 : i32
        %dma_start3A_107 = arith.constant 0 : i32
        %dma_start3A_108 = tpu.memref_slice %arg3[%dma_start3A, %dma_start3A_107] : memref<10000x64xf32, #tpu.memory_space<hbm>> -> memref<10000x64xf32, #tpu.memory_space<hbm>>
        tpu.enqueue_indirect_dma source(%dma_start3A_108 : memref<10000x64xf32, #tpu.memory_space<hbm>>) target(%arg10 : memref<128x64xf32, #tpu.memory_space<vmem>>) offsets(%arg14 : memref<128xi32, #tpu.memory_space<vmem>>) semaphore(%arg20 : memref<!tpu.dma_semaphore, #tpu.memory_space<semaphore_mem>>)
        %dma_wait3A = arith.constant 0 : i32
        %dma_wait3A_109 = arith.constant 0 : i32
        %dma_wait3A_110 = tpu.memref_slice %arg3[%dma_wait3A, %dma_wait3A_109] : memref<10000x64xf32, #tpu.memory_space<hbm>> -> memref<10000x64xf32, #tpu.memory_space<hbm>>
        tpu.wait_indirect_dma semaphore(%arg20 : memref<!tpu.dma_semaphore, #tpu.memory_space<semaphore_mem>>) src(%dma_wait3A_110 : memref<10000x64xf32, #tpu.memory_space<hbm>>) dst(%arg10 : memref<128x64xf32, #tpu.memory_space<vmem>>)
      } else {
      }
      "tpu.region"() ({
        %run_scoped3A = tpu.sem_alloc : memref<!tpu.dma_semaphore, #tpu.memory_space<semaphore_mem>>
        %dma_start3A = arith.constant 0 : i32
        %dma_start3A_107 = arith.constant 0 : i32
        %dma_start3A_108 = tpu.memref_slice %arg18[%dma_start3A, %dma_start3A_107] : memref<10000x64xf32, #tpu.memory_space<vmem_shared>> -> memref<10000x64xf32, #tpu.memory_space<vmem_shared>>
        tpu.enqueue_indirect_dma source(%arg10 : memref<128x64xf32, #tpu.memory_space<vmem>>) target(%dma_start3A_108 : memref<10000x64xf32, #tpu.memory_space<vmem_shared>>) offsets(%arg15 : memref<128xi32, #tpu.memory_space<vmem>>) semaphore(%run_scoped3A : memref<!tpu.dma_semaphore, #tpu.memory_space<semaphore_mem>>) {add = true}
        %dma_wait3A = arith.constant 0 : i32
        %dma_wait3A_109 = arith.constant 0 : i32
        %dma_wait3A_110 = tpu.memref_slice %arg18[%dma_wait3A, %dma_wait3A_109] : memref<10000x64xf32, #tpu.memory_space<vmem_shared>> -> memref<10000x64xf32, #tpu.memory_space<vmem_shared>>
        tpu.wait_indirect_dma semaphore(%run_scoped3A : memref<!tpu.dma_semaphore, #tpu.memory_space<semaphore_mem>>) src(%arg10 : memref<128x64xf32, #tpu.memory_space<vmem>>) dst(%dma_wait3A_110 : memref<10000x64xf32, #tpu.memory_space<vmem_shared>>)
        tpu.yield
      }) : () -> ()
      %convert_element_type3A_104 = arith.extui %eq3A_0 : i1 to i32
      %cond3A_105 = arith.constant 0 : i32
      %cond3A_106 = arith.cmpi ne, %convert_element_type3A_104, %cond3A_105 : i32
      scf.if %cond3A_106 {
        "tpu.region"() ({
          %run_scoped3A = tpu.sem_alloc : memref<!tpu.dma_semaphore, #tpu.memory_space<semaphore_mem>>
          %dma_start3A = arith.constant 0 : i32
          %dma_start3A_107 = arith.constant 0 : i32
          %dma_start3A_108 = tpu.memref_slice %arg19[%dma_start3A, %dma_start3A_107] : memref<10000x16xf32, #tpu.memory_space<vmem_shared>> -> memref<10000x16xf32, #tpu.memory_space<vmem_shared>>
          tpu.enqueue_indirect_dma source(%arg12 : memref<128x16xf32, #tpu.memory_space<vmem>>) target(%dma_start3A_108 : memref<10000x16xf32, #tpu.memory_space<vmem_shared>>) offsets(%arg15 : memref<128xi32, #tpu.memory_space<vmem>>) semaphore(%run_scoped3A : memref<!tpu.dma_semaphore, #tpu.memory_space<semaphore_mem>>) {add = true}
          %dma_wait3A = arith.constant 0 : i32
          %dma_wait3A_109 = arith.constant 0 : i32
          %dma_wait3A_110 = tpu.memref_slice %arg19[%dma_wait3A, %dma_wait3A_109] : memref<10000x16xf32, #tpu.memory_space<vmem_shared>> -> memref<10000x16xf32, #tpu.memory_space<vmem_shared>>
          tpu.wait_indirect_dma semaphore(%run_scoped3A : memref<!tpu.dma_semaphore, #tpu.memory_space<semaphore_mem>>) src(%arg12 : memref<128x16xf32, #tpu.memory_space<vmem>>) dst(%dma_wait3A_110 : memref<10000x16xf32, #tpu.memory_space<vmem_shared>>)
          tpu.yield
        }) : () -> ()
      } else {
      }
    }
    %scan3A_66 = arith.constant 156 : i32
    %add3A_67 = arith.constant 19968 : i32
    %add3A_68 = arith.addi %mul3A_60, %add3A_67 : i32
    %multiple_of3A = tpu.assume_multiple %add3A_68, 8 : i32
    "tpu.region"() ({
      %run_scoped3A = tpu.sem_alloc : memref<!tpu.dma_semaphore, #tpu.memory_space<semaphore_mem>>
      %dma_start3A = tpu.memref_slice %arg4[%multiple_of3A] : memref<320000xi32, #tpu.memory_space<hbm>> -> memref<32xi32, #tpu.memory_space<hbm>>
      %dma_start3A_91 = tpu.memref_slice %arg4[%multiple_of3A] : memref<320000xi32, #tpu.memory_space<hbm>> -> memref<32xi32, #tpu.memory_space<hbm>>
      tpu.enqueue_dma source(%dma_start3A_91 : memref<32xi32, #tpu.memory_space<hbm>>) target(%arg16 : memref<32xi32, #tpu.memory_space<vmem>>) target_semaphore(%run_scoped3A : memref<!tpu.dma_semaphore, #tpu.memory_space<semaphore_mem>>)
      %dma_wait3A = tpu.memref_slice %arg4[%multiple_of3A] : memref<320000xi32, #tpu.memory_space<hbm>> -> memref<32xi32, #tpu.memory_space<hbm>>
      %dma_wait3A_92 = tpu.memref_slice %arg4[%multiple_of3A] : memref<320000xi32, #tpu.memory_space<hbm>> -> memref<32xi32, #tpu.memory_space<hbm>>
      tpu.wait_dma2 semaphore(%run_scoped3A : memref<!tpu.dma_semaphore, #tpu.memory_space<semaphore_mem>>) src(%dma_wait3A_92 : memref<32xi32, #tpu.memory_space<hbm>>) dst(%arg16 : memref<32xi32, #tpu.memory_space<vmem>>)
      tpu.yield
    }) : () -> ()
    "tpu.region"() ({
      %run_scoped3A = tpu.sem_alloc : memref<!tpu.dma_semaphore, #tpu.memory_space<semaphore_mem>>
      %dma_start3A = tpu.memref_slice %arg5[%multiple_of3A] : memref<320000xi32, #tpu.memory_space<hbm>> -> memref<32xi32, #tpu.memory_space<hbm>>
      %dma_start3A_91 = tpu.memref_slice %arg5[%multiple_of3A] : memref<320000xi32, #tpu.memory_space<hbm>> -> memref<32xi32, #tpu.memory_space<hbm>>
      tpu.enqueue_dma source(%dma_start3A_91 : memref<32xi32, #tpu.memory_space<hbm>>) target(%arg17 : memref<32xi32, #tpu.memory_space<vmem>>) target_semaphore(%run_scoped3A : memref<!tpu.dma_semaphore, #tpu.memory_space<semaphore_mem>>)
      %dma_wait3A = tpu.memref_slice %arg5[%multiple_of3A] : memref<320000xi32, #tpu.memory_space<hbm>> -> memref<32xi32, #tpu.memory_space<hbm>>
      %dma_wait3A_92 = tpu.memref_slice %arg5[%multiple_of3A] : memref<320000xi32, #tpu.memory_space<hbm>> -> memref<32xi32, #tpu.memory_space<hbm>>
      tpu.wait_dma2 semaphore(%run_scoped3A : memref<!tpu.dma_semaphore, #tpu.memory_space<semaphore_mem>>) src(%dma_wait3A_92 : memref<32xi32, #tpu.memory_space<hbm>>) dst(%arg17 : memref<32xi32, #tpu.memory_space<vmem>>)
      tpu.yield
    }) : () -> ()
    %convert_element_type3A_69 = arith.extui %eq3A_0 : i1 to i32
    %cond3A_70 = arith.constant 0 : i32
    %cond3A_71 = arith.cmpi ne, %convert_element_type3A_69, %cond3A_70 : i32
    scf.if %cond3A_71 {
      %dma_start3A = arith.constant 0 : i32
      %dma_start3A_91 = arith.constant 0 : i32
      %dma_start3A_92 = tpu.memref_slice %arg2[%dma_start3A, %dma_start3A_91] : memref<10000x64xf32, #tpu.memory_space<hbm>> -> memref<10000x64xf32, #tpu.memory_space<hbm>>
      tpu.enqueue_indirect_dma source(%dma_start3A_92 : memref<10000x64xf32, #tpu.memory_space<hbm>>) target(%arg11 : memref<32x64xf32, #tpu.memory_space<vmem>>) offsets(%arg16 : memref<32xi32, #tpu.memory_space<vmem>>) semaphore(%arg20 : memref<!tpu.dma_semaphore, #tpu.memory_space<semaphore_mem>>)
      %dma_wait3A = arith.constant 0 : i32
      %dma_wait3A_93 = arith.constant 0 : i32
      %dma_wait3A_94 = tpu.memref_slice %arg2[%dma_wait3A, %dma_wait3A_93] : memref<10000x64xf32, #tpu.memory_space<hbm>> -> memref<10000x64xf32, #tpu.memory_space<hbm>>
      tpu.wait_indirect_dma semaphore(%arg20 : memref<!tpu.dma_semaphore, #tpu.memory_space<semaphore_mem>>) src(%dma_wait3A_94 : memref<10000x64xf32, #tpu.memory_space<hbm>>) dst(%arg11 : memref<32x64xf32, #tpu.memory_space<vmem>>)
    } else {
    }
    %not3A = arith.constant true
    %not3A_72 = arith.xori %eq3A_0, %not3A : i1
    %convert_element_type3A_73 = arith.extui %not3A_72 : i1 to i32
    %cond3A_74 = arith.constant 0 : i32
    %cond3A_75 = arith.cmpi ne, %convert_element_type3A_73, %cond3A_74 : i32
    scf.if %cond3A_75 {
      %dma_start3A = arith.constant 0 : i32
      %dma_start3A_91 = arith.constant 0 : i32
      %dma_start3A_92 = tpu.memref_slice %arg3[%dma_start3A, %dma_start3A_91] : memref<10000x64xf32, #tpu.memory_space<hbm>> -> memref<10000x64xf32, #tpu.memory_space<hbm>>
      tpu.enqueue_indirect_dma source(%dma_start3A_92 : memref<10000x64xf32, #tpu.memory_space<hbm>>) target(%arg11 : memref<32x64xf32, #tpu.memory_space<vmem>>) offsets(%arg16 : memref<32xi32, #tpu.memory_space<vmem>>) semaphore(%arg20 : memref<!tpu.dma_semaphore, #tpu.memory_space<semaphore_mem>>)
      %dma_wait3A = arith.constant 0 : i32
      %dma_wait3A_93 = arith.constant 0 : i32
      %dma_wait3A_94 = tpu.memref_slice %arg3[%dma_wait3A, %dma_wait3A_93] : memref<10000x64xf32, #tpu.memory_space<hbm>> -> memref<10000x64xf32, #tpu.memory_space<hbm>>
      tpu.wait_indirect_dma semaphore(%arg20 : memref<!tpu.dma_semaphore, #tpu.memory_space<semaphore_mem>>) src(%dma_wait3A_94 : memref<10000x64xf32, #tpu.memory_space<hbm>>) dst(%arg11 : memref<32x64xf32, #tpu.memory_space<vmem>>)
    } else {
    }
    "tpu.region"() ({
      %run_scoped3A = tpu.sem_alloc : memref<!tpu.dma_semaphore, #tpu.memory_space<semaphore_mem>>
      %dma_start3A = arith.constant 0 : i32
      %dma_start3A_91 = arith.constant 0 : i32
      %dma_start3A_92 = tpu.memref_slice %arg18[%dma_start3A, %dma_start3A_91] : memref<10000x64xf32, #tpu.memory_space<vmem_shared>> -> memref<10000x64xf32, #tpu.memory_space<vmem_shared>>
      tpu.enqueue_indirect_dma source(%arg11 : memref<32x64xf32, #tpu.memory_space<vmem>>) target(%dma_start3A_92 : memref<10000x64xf32, #tpu.memory_space<vmem_shared>>) offsets(%arg17 : memref<32xi32, #tpu.memory_space<vmem>>) semaphore(%run_scoped3A : memref<!tpu.dma_semaphore, #tpu.memory_space<semaphore_mem>>) {add = true}
      %dma_wait3A = arith.constant 0 : i32
      %dma_wait3A_93 = arith.constant 0 : i32
      %dma_wait3A_94 = tpu.memref_slice %arg18[%dma_wait3A, %dma_wait3A_93] : memref<10000x64xf32, #tpu.memory_space<vmem_shared>> -> memref<10000x64xf32, #tpu.memory_space<vmem_shared>>
      tpu.wait_indirect_dma semaphore(%run_scoped3A : memref<!tpu.dma_semaphore, #tpu.memory_space<semaphore_mem>>) src(%arg11 : memref<32x64xf32, #tpu.memory_space<vmem>>) dst(%dma_wait3A_94 : memref<10000x64xf32, #tpu.memory_space<vmem_shared>>)
      tpu.yield
    }) : () -> ()
    %convert_element_type3A_76 = arith.extui %eq3A_0 : i1 to i32
    %cond3A_77 = arith.constant 0 : i32
    %cond3A_78 = arith.cmpi ne, %convert_element_type3A_76, %cond3A_77 : i32
    scf.if %cond3A_78 {
      "tpu.region"() ({
        %run_scoped3A = tpu.sem_alloc : memref<!tpu.dma_semaphore, #tpu.memory_space<semaphore_mem>>
        %dma_start3A = arith.constant 0 : i32
        %dma_start3A_91 = arith.constant 0 : i32
        %dma_start3A_92 = tpu.memref_slice %arg19[%dma_start3A, %dma_start3A_91] : memref<10000x16xf32, #tpu.memory_space<vmem_shared>> -> memref<10000x16xf32, #tpu.memory_space<vmem_shared>>
        tpu.enqueue_indirect_dma source(%arg13 : memref<32x16xf32, #tpu.memory_space<vmem>>) target(%dma_start3A_92 : memref<10000x16xf32, #tpu.memory_space<vmem_shared>>) offsets(%arg17 : memref<32xi32, #tpu.memory_space<vmem>>) semaphore(%run_scoped3A : memref<!tpu.dma_semaphore, #tpu.memory_space<semaphore_mem>>) {add = true}
        %dma_wait3A = arith.constant 0 : i32
        %dma_wait3A_93 = arith.constant 0 : i32
        %dma_wait3A_94 = tpu.memref_slice %arg19[%dma_wait3A, %dma_wait3A_93] : memref<10000x16xf32, #tpu.memory_space<vmem_shared>> -> memref<10000x16xf32, #tpu.memory_space<vmem_shared>>
        tpu.wait_indirect_dma semaphore(%run_scoped3A : memref<!tpu.dma_semaphore, #tpu.memory_space<semaphore_mem>>) src(%arg13 : memref<32x16xf32, #tpu.memory_space<vmem>>) dst(%dma_wait3A_94 : memref<10000x16xf32, #tpu.memory_space<vmem_shared>>)
        tpu.yield
      }) : () -> ()
    } else {
    }
    %barrier3A_79 = arith.constant 0 : index
    tpu.barrier barrier_id(%barrier3A_79)
    %mul3A_80 = arith.constant 624 : i32
    %mul3A_81 = arith.muli %arg1, %mul3A_80 : i32
    "tpu.region"() ({
      %run_scoped3A = tpu.sem_alloc : memref<!tpu.dma_semaphore, #tpu.memory_space<semaphore_mem>>
      %dma_start3A = arith.constant 0 : i32
      %dma_start3A_91 = tpu.memref_slice %arg6[%arg0, %mul3A_81, %dma_start3A] : memref<2x10000x64xf32, #tpu.memory_space<hbm>> -> memref<1x624x64xf32, #tpu.memory_space<hbm>>
      %dma_start3A_92 = tpu.memref_squeeze %dma_start3A_91 : memref<1x624x64xf32, #tpu.memory_space<hbm>> -> memref<624x64xf32, #tpu.memory_space<hbm>>
      %dma_start3A_93 = arith.constant 0 : i32
      %dma_start3A_94 = tpu.memref_slice %arg18[%mul3A_81, %dma_start3A_93] : memref<10000x64xf32, #tpu.memory_space<vmem_shared>> -> memref<624x64xf32, #tpu.memory_space<vmem_shared>>
      tpu.enqueue_dma source(%dma_start3A_94 : memref<624x64xf32, #tpu.memory_space<vmem_shared>>) target(%dma_start3A_92 : memref<624x64xf32, #tpu.memory_space<hbm>>) target_semaphore(%run_scoped3A : memref<!tpu.dma_semaphore, #tpu.memory_space<semaphore_mem>>)
      %dma_wait3A = arith.constant 0 : i32
      %dma_wait3A_95 = tpu.memref_slice %arg6[%arg0, %mul3A_81, %dma_wait3A] : memref<2x10000x64xf32, #tpu.memory_space<hbm>> -> memref<1x624x64xf32, #tpu.memory_space<hbm>>
      %dma_wait3A_96 = tpu.memref_squeeze %dma_wait3A_95 : memref<1x624x64xf32, #tpu.memory_space<hbm>> -> memref<624x64xf32, #tpu.memory_space<hbm>>
      %dma_wait3A_97 = arith.constant 0 : i32
      %dma_wait3A_98 = tpu.memref_slice %arg18[%mul3A_81, %dma_wait3A_97] : memref<10000x64xf32, #tpu.memory_space<vmem_shared>> -> memref<624x64xf32, #tpu.memory_space<vmem_shared>>
      tpu.wait_dma2 semaphore(%run_scoped3A : memref<!tpu.dma_semaphore, #tpu.memory_space<semaphore_mem>>) src(%dma_wait3A_98 : memref<624x64xf32, #tpu.memory_space<vmem_shared>>) dst(%dma_wait3A_96 : memref<624x64xf32, #tpu.memory_space<hbm>>)
      tpu.yield
    }) : () -> ()
    %convert_element_type3A_82 = arith.extui %eq3A_2 : i1 to i32
    %cond3A_83 = arith.constant 0 : i32
    %cond3A_84 = arith.cmpi ne, %convert_element_type3A_82, %cond3A_83 : i32
    scf.if %cond3A_84 {
      "tpu.region"() ({
        %run_scoped3A = tpu.sem_alloc : memref<!tpu.dma_semaphore, #tpu.memory_space<semaphore_mem>>
        %dma_start3A = arith.constant 9984 : i32
        %dma_start3A_91 = arith.constant 0 : i32
        %dma_start3A_92 = tpu.memref_slice %arg6[%arg0, %dma_start3A, %dma_start3A_91] : memref<2x10000x64xf32, #tpu.memory_space<hbm>> -> memref<1x16x64xf32, #tpu.memory_space<hbm>>
        %dma_start3A_93 = tpu.memref_squeeze %dma_start3A_92 : memref<1x16x64xf32, #tpu.memory_space<hbm>> -> memref<16x64xf32, #tpu.memory_space<hbm>>
        %dma_start3A_94 = arith.constant 9984 : i32
        %dma_start3A_95 = arith.constant 0 : i32
        %dma_start3A_96 = tpu.memref_slice %arg18[%dma_start3A_94, %dma_start3A_95] : memref<10000x64xf32, #tpu.memory_space<vmem_shared>> -> memref<16x64xf32, #tpu.memory_space<vmem_shared>>
        tpu.enqueue_dma source(%dma_start3A_96 : memref<16x64xf32, #tpu.memory_space<vmem_shared>>) target(%dma_start3A_93 : memref<16x64xf32, #tpu.memory_space<hbm>>) target_semaphore(%run_scoped3A : memref<!tpu.dma_semaphore, #tpu.memory_space<semaphore_mem>>)
        %dma_wait3A = arith.constant 9984 : i32
        %dma_wait3A_97 = arith.constant 0 : i32
        %dma_wait3A_98 = tpu.memref_slice %arg6[%arg0, %dma_wait3A, %dma_wait3A_97] : memref<2x10000x64xf32, #tpu.memory_space<hbm>> -> memref<1x16x64xf32, #tpu.memory_space<hbm>>
        %dma_wait3A_99 = tpu.memref_squeeze %dma_wait3A_98 : memref<1x16x64xf32, #tpu.memory_space<hbm>> -> memref<16x64xf32, #tpu.memory_space<hbm>>
        %dma_wait3A_100 = arith.constant 9984 : i32
        %dma_wait3A_101 = arith.constant 0 : i32
        %dma_wait3A_102 = tpu.memref_slice %arg18[%dma_wait3A_100, %dma_wait3A_101] : memref<10000x64xf32, #tpu.memory_space<vmem_shared>> -> memref<16x64xf32, #tpu.memory_space<vmem_shared>>
        tpu.wait_dma2 semaphore(%run_scoped3A : memref<!tpu.dma_semaphore, #tpu.memory_space<semaphore_mem>>) src(%dma_wait3A_102 : memref<16x64xf32, #tpu.memory_space<vmem_shared>>) dst(%dma_wait3A_99 : memref<16x64xf32, #tpu.memory_space<hbm>>)
        tpu.yield
      }) : () -> ()
    } else {
    }
    %convert_element_type3A_85 = arith.extui %eq3A_0 : i1 to i32
    %cond3A_86 = arith.constant 0 : i32
    %cond3A_87 = arith.cmpi ne, %convert_element_type3A_85, %cond3A_86 : i32
    scf.if %cond3A_87 {
      "tpu.region"() ({
        %run_scoped3A = tpu.sem_alloc : memref<!tpu.dma_semaphore, #tpu.memory_space<semaphore_mem>>
        %dma_start3A = arith.constant 0 : i32
        %dma_start3A_91 = tpu.memref_slice %arg7[%mul3A_81, %dma_start3A] : memref<10000x16xf32, #tpu.memory_space<hbm>> -> memref<624x16xf32, #tpu.memory_space<hbm>>
        %dma_start3A_92 = arith.constant 0 : i32
        %dma_start3A_93 = tpu.memref_slice %arg19[%mul3A_81, %dma_start3A_92] : memref<10000x16xf32, #tpu.memory_space<vmem_shared>> -> memref<624x16xf32, #tpu.memory_space<vmem_shared>>
        tpu.enqueue_dma source(%dma_start3A_93 : memref<624x16xf32, #tpu.memory_space<vmem_shared>>) target(%dma_start3A_91 : memref<624x16xf32, #tpu.memory_space<hbm>>) target_semaphore(%run_scoped3A : memref<!tpu.dma_semaphore, #tpu.memory_space<semaphore_mem>>)
        %dma_wait3A = arith.constant 0 : i32
        %dma_wait3A_94 = tpu.memref_slice %arg7[%mul3A_81, %dma_wait3A] : memref<10000x16xf32, #tpu.memory_space<hbm>> -> memref<624x16xf32, #tpu.memory_space<hbm>>
        %dma_wait3A_95 = arith.constant 0 : i32
        %dma_wait3A_96 = tpu.memref_slice %arg19[%mul3A_81, %dma_wait3A_95] : memref<10000x16xf32, #tpu.memory_space<vmem_shared>> -> memref<624x16xf32, #tpu.memory_space<vmem_shared>>
        tpu.wait_dma2 semaphore(%run_scoped3A : memref<!tpu.dma_semaphore, #tpu.memory_space<semaphore_mem>>) src(%dma_wait3A_96 : memref<624x16xf32, #tpu.memory_space<vmem_shared>>) dst(%dma_wait3A_94 : memref<624x16xf32, #tpu.memory_space<hbm>>)
        tpu.yield
      }) : () -> ()
    } else {
    }
    %and3A = arith.andi %eq3A_0, %eq3A_2 : i1
    %convert_element_type3A_88 = arith.extui %and3A : i1 to i32
    %cond3A_89 = arith.constant 0 : i32
    %cond3A_90 = arith.cmpi ne, %convert_element_type3A_88, %cond3A_89 : i32
    scf.if %cond3A_90 {
      "tpu.region"() ({
        %run_scoped3A = tpu.sem_alloc : memref<!tpu.dma_semaphore, #tpu.memory_space<semaphore_mem>>
        %dma_start3A = arith.constant 9984 : i32
        %dma_start3A_91 = arith.constant 0 : i32
        %dma_start3A_92 = tpu.memref_slice %arg7[%dma_start3A, %dma_start3A_91] : memref<10000x16xf32, #tpu.memory_space<hbm>> -> memref<16x16xf32, #tpu.memory_space<hbm>>
        %dma_start3A_93 = arith.constant 9984 : i32
        %dma_start3A_94 = arith.constant 0 : i32
        %dma_start3A_95 = tpu.memref_slice %arg19[%dma_start3A_93, %dma_start3A_94] : memref<10000x16xf32, #tpu.memory_space<vmem_shared>> -> memref<16x16xf32, #tpu.memory_space<vmem_shared>>
        tpu.enqueue_dma source(%dma_start3A_95 : memref<16x16xf32, #tpu.memory_space<vmem_shared>>) target(%dma_start3A_92 : memref<16x16xf32, #tpu.memory_space<hbm>>) target_semaphore(%run_scoped3A : memref<!tpu.dma_semaphore, #tpu.memory_space<semaphore_mem>>)
        %dma_wait3A = arith.constant 9984 : i32
        %dma_wait3A_96 = arith.constant 0 : i32
        %dma_wait3A_97 = tpu.memref_slice %arg7[%dma_wait3A, %dma_wait3A_96] : memref<10000x16xf32, #tpu.memory_space<hbm>> -> memref<16x16xf32, #tpu.memory_space<hbm>>
        %dma_wait3A_98 = arith.constant 9984 : i32
        %dma_wait3A_99 = arith.constant 0 : i32
        %dma_wait3A_100 = tpu.memref_slice %arg19[%dma_wait3A_98, %dma_wait3A_99] : memref<10000x16xf32, #tpu.memory_space<vmem_shared>> -> memref<16x16xf32, #tpu.memory_space<vmem_shared>>
        tpu.wait_dma2 semaphore(%run_scoped3A : memref<!tpu.dma_semaphore, #tpu.memory_space<semaphore_mem>>) src(%dma_wait3A_100 : memref<16x16xf32, #tpu.memory_space<vmem_shared>>) dst(%dma_wait3A_97 : memref<16x16xf32, #tpu.memory_space<hbm>>)
        tpu.yield
      }) : () -> ()
    } else {
    }
    return
  }
}

module attributes {stable_mosaic.version = 14 : i64} {
  func.func @_dense1_body(%arg0: i32, %arg1: memref<2x400x64xf32, #tpu.memory_space<vmem>>, %arg2: memref<400x16xf32, #tpu.memory_space<vmem>>, %arg3: memref<400x128xf32, #tpu.memory_space<vmem>>, %arg4: memref<128x128xf32, #tpu.memory_space<vmem>>, %arg5: memref<128x128xf32, #tpu.memory_space<vmem>>, %arg6: memref<1x128xf32, #tpu.memory_space<vmem>>, %arg7: memref<400x64xf32, #tpu.memory_space<vmem>>, %arg8: memref<400x64xf32, #tpu.memory_space<vmem>>) attributes {dimension_semantics = [#tpu.dimension_semantics<arbitrary>], iteration_bounds = array<i64: 25>, scalar_prefetch = 0 : i64, scratch_operands = 0 : i64, tpu.core_type = #tpu.core_type<tc>, window_params = [{transform_indices = @transform_0, window_bounds = array<i64: 2, 400, 64>}, {transform_indices = @transform_1, window_bounds = array<i64: 400, 16>}, {transform_indices = @transform_2, window_bounds = array<i64: 400, 128>}, {pipeline_mode = #tpu.pipeline_mode<synchronous>, transform_indices = @transform_3, window_bounds = array<i64: 128, 128>}, {pipeline_mode = #tpu.pipeline_mode<synchronous>, transform_indices = @transform_4, window_bounds = array<i64: 128, 128>}, {pipeline_mode = #tpu.pipeline_mode<synchronous>, transform_indices = @transform_5, window_bounds = array<i64: 1, 128>}, {transform_indices = @transform_6, window_bounds = array<i64: 400, 64>}, {transform_indices = @transform_7, window_bounds = array<i64: 400, 64>}]} {
    %get3A = arith.constant 0 : index
    %get3A_0 = arith.constant 0 : index
    %get3A_1 = arith.constant 0 : index
    %get3A_2 = vector.load %arg1[%get3A, %get3A_0, %get3A_1] : memref<2x400x64xf32, #tpu.memory_space<vmem>>, vector<1x400x64xf32>
    %get3A_3 = vector.shape_cast %get3A_2 : vector<1x400x64xf32> to vector<400x64xf32>
    %get3A_4 = arith.constant 1 : index
    %get3A_5 = arith.constant 0 : index
    %get3A_6 = arith.constant 0 : index
    %get3A_7 = vector.load %arg1[%get3A_4, %get3A_5, %get3A_6] : memref<2x400x64xf32, #tpu.memory_space<vmem>>, vector<1x400x64xf32>
    %get3A_8 = vector.shape_cast %get3A_7 : vector<1x400x64xf32> to vector<400x64xf32>
    %concatenate3A = tpu.concatenate %get3A_3, %get3A_8 in 1 : vector<400x64xf32>, vector<400x64xf32> -> vector<400x128xf32>
    %get3A_9 = arith.constant 0 : index
    %get3A_10 = arith.constant 0 : index
    %get3A_11 = vector.load %arg2[%get3A_9, %get3A_10] : memref<400x16xf32, #tpu.memory_space<vmem>>, vector<400x1xf32>
    %max3A = arith.constant 1.000000e+00 : f32
    %max3A_12 = vector.broadcast %max3A : f32 to vector<400x1xf32>
    %max3A_13 = arith.maximumf %get3A_11, %max3A_12 : vector<400x1xf32>
    %div3A = arith.constant 1.000000e+00 : f32
    %div3A_14 = vector.broadcast %div3A : f32 to vector<400x1xf32>
    %div3A_15 = arith.divf %div3A_14, %max3A_13 : vector<400x1xf32>
    %mul3A = vector.broadcast %div3A_15 : vector<400x1xf32> to vector<400x128xf32>
    %mul3A_16 = arith.mulf %concatenate3A, %mul3A : vector<400x128xf32>
    %get3A_17 = arith.constant 0 : index
    %get3A_18 = arith.constant 0 : index
    %get3A_19 = vector.load %arg4[%get3A_17, %get3A_18] : memref<128x128xf32, #tpu.memory_space<vmem>>, vector<128x128xf32>
    %dot_general3A = arith.constant dense<0.000000e+00> : vector<400x128xf32>
    %dot_general3A_20 = tpu.matmul %mul3A_16, %get3A_19, %dot_general3A {dimension_numbers = #tpu.dot_dimension_numbers<[1], [0], [0], [1], [0, 0, 1, 1], [], []>, transpose_lhs_hint = false} : vector<400x128xf32>, vector<128x128xf32>, vector<400x128xf32> -> vector<400x128xf32>
    %get3A_21 = arith.constant 0 : index
    %get3A_22 = arith.constant 0 : index
    %get3A_23 = vector.load %arg3[%get3A_21, %get3A_22] : memref<400x128xf32, #tpu.memory_space<vmem>>, vector<400x128xf32>
    %get3A_24 = arith.constant 0 : index
    %get3A_25 = arith.constant 0 : index
    %get3A_26 = vector.load %arg5[%get3A_24, %get3A_25] : memref<128x128xf32, #tpu.memory_space<vmem>>, vector<128x128xf32>
    %dot_general3A_27 = arith.constant dense<0.000000e+00> : vector<400x128xf32>
    %dot_general3A_28 = tpu.matmul %get3A_23, %get3A_26, %dot_general3A_27 {dimension_numbers = #tpu.dot_dimension_numbers<[1], [0], [0], [1], [0, 0, 1, 1], [], []>, transpose_lhs_hint = false} : vector<400x128xf32>, vector<128x128xf32>, vector<400x128xf32> -> vector<400x128xf32>
    %add3A = arith.addf %dot_general3A_20, %dot_general3A_28 : vector<400x128xf32>
    %get3A_29 = arith.constant 0 : index
    %get3A_30 = arith.constant 0 : index
    %get3A_31 = vector.load %arg6[%get3A_29, %get3A_30] : memref<1x128xf32, #tpu.memory_space<vmem>>, vector<1x128xf32>
    %add3A_32 = vector.broadcast %get3A_31 : vector<1x128xf32> to vector<400x128xf32>
    %add3A_33 = arith.addf %add3A, %add3A_32 : vector<400x128xf32>
    %max3A_34 = arith.constant 0.000000e+00 : f32
    %max3A_35 = vector.broadcast %max3A_34 : f32 to vector<400x128xf32>
    %max3A_36 = arith.maximumf %add3A_33, %max3A_35 : vector<400x128xf32>
    %slice3A = vector.extract_strided_slice %max3A_36 {offsets = [0, 0], sizes = [400, 64], strides = [1, 1]} : vector<400x128xf32> to vector<400x64xf32>
    %swap3A = arith.constant 0 : index
    %swap3A_37 = arith.constant 0 : index
    %swap3A_38 = vector.load %arg7[%swap3A, %swap3A_37] : memref<400x64xf32, #tpu.memory_space<vmem>>, vector<400x64xf32>
    tpu.vector_store %arg7[%swap3A, %swap3A_37], %slice3A {strides = array<i32>} : memref<400x64xf32, #tpu.memory_space<vmem>>, vector<400x64xf32>,
    %slice3A_39 = vector.extract_strided_slice %max3A_36 {offsets = [0, 64], sizes = [400, 64], strides = [1, 1]} : vector<400x128xf32> to vector<400x64xf32>
    %swap3A_40 = arith.constant 0 : index
    %swap3A_41 = arith.constant 0 : index
    %swap3A_42 = vector.load %arg8[%swap3A_40, %swap3A_41] : memref<400x64xf32, #tpu.memory_space<vmem>>, vector<400x64xf32>
    tpu.vector_store %arg8[%swap3A_40, %swap3A_41], %slice3A_39 {strides = array<i32>} : memref<400x64xf32, #tpu.memory_space<vmem>>, vector<400x64xf32>,
    return
  }
  func.func @transform_0(%arg0: i32) -> (i32, i32, i32) {
    %c0_i32 = arith.constant 0 : i32
    %c0_i32_0 = arith.constant 0 : i32
    %c0_i32_1 = arith.constant 0 : i32
    return %c0_i32, %arg0, %c0_i32_0 : i32, i32, i32
  }
  func.func @transform_1(%arg0: i32) -> (i32, i32) {
    %c0_i32 = arith.constant 0 : i32
    %c0_i32_0 = arith.constant 0 : i32
    return %arg0, %c0_i32 : i32, i32
  }
  func.func @transform_2(%arg0: i32) -> (i32, i32) {
    %c0_i32 = arith.constant 0 : i32
    %c0_i32_0 = arith.constant 0 : i32
    return %arg0, %c0_i32 : i32, i32
  }
  func.func @transform_3(%arg0: i32) -> (i32, i32) {
    %c0_i32 = arith.constant 0 : i32
    %c0_i32_0 = arith.constant 0 : i32
    %c0_i32_1 = arith.constant 0 : i32
    return %c0_i32, %c0_i32_0 : i32, i32
  }
  func.func @transform_4(%arg0: i32) -> (i32, i32) {
    %c0_i32 = arith.constant 0 : i32
    %c0_i32_0 = arith.constant 0 : i32
    %c0_i32_1 = arith.constant 0 : i32
    return %c0_i32, %c0_i32_0 : i32, i32
  }
  func.func @transform_5(%arg0: i32) -> (i32, i32) {
    %c0_i32 = arith.constant 0 : i32
    %c0_i32_0 = arith.constant 0 : i32
    %c0_i32_1 = arith.constant 0 : i32
    return %c0_i32, %c0_i32_0 : i32, i32
  }
  func.func @transform_6(%arg0: i32) -> (i32, i32) {
    %c0_i32 = arith.constant 0 : i32
    %c0_i32_0 = arith.constant 0 : i32
    return %arg0, %c0_i32 : i32, i32
  }
  func.func @transform_7(%arg0: i32) -> (i32, i32) {
    %c0_i32 = arith.constant 0 : i32
    %c0_i32_0 = arith.constant 0 : i32
    return %arg0, %c0_i32 : i32, i32
  }
}

module attributes {stable_mosaic.version = 14 : i64} {
  func.func @_dense2_body(%arg0: i32, %arg1: memref<2x400x64xf32, #tpu.memory_space<vmem>>, %arg2: memref<400x16xf32, #tpu.memory_space<vmem>>, %arg3: memref<400x64xf32, #tpu.memory_space<vmem>>, %arg4: memref<400x64xf32, #tpu.memory_space<vmem>>, %arg5: memref<128x128xf32, #tpu.memory_space<vmem>>, %arg6: memref<128x128xf32, #tpu.memory_space<vmem>>, %arg7: memref<1x128xf32, #tpu.memory_space<vmem>>, %arg8: memref<400x128xf32, #tpu.memory_space<vmem>>) attributes {dimension_semantics = [#tpu.dimension_semantics<arbitrary>], iteration_bounds = array<i64: 25>, scalar_prefetch = 0 : i64, scratch_operands = 0 : i64, tpu.core_type = #tpu.core_type<tc>, window_params = [{transform_indices = @transform_0, window_bounds = array<i64: 2, 400, 64>}, {transform_indices = @transform_1, window_bounds = array<i64: 400, 16>}, {transform_indices = @transform_2, window_bounds = array<i64: 400, 64>}, {transform_indices = @transform_3, window_bounds = array<i64: 400, 64>}, {pipeline_mode = #tpu.pipeline_mode<synchronous>, transform_indices = @transform_4, window_bounds = array<i64: 128, 128>}, {pipeline_mode = #tpu.pipeline_mode<synchronous>, transform_indices = @transform_5, window_bounds = array<i64: 128, 128>}, {pipeline_mode = #tpu.pipeline_mode<synchronous>, transform_indices = @transform_6, window_bounds = array<i64: 1, 128>}, {transform_indices = @transform_7, window_bounds = array<i64: 400, 128>}]} {
    %get3A = arith.constant 0 : index
    %get3A_0 = arith.constant 0 : index
    %get3A_1 = vector.load %arg3[%get3A, %get3A_0] : memref<400x64xf32, #tpu.memory_space<vmem>>, vector<400x64xf32>
    %get3A_2 = arith.constant 0 : index
    %get3A_3 = arith.constant 0 : index
    %get3A_4 = vector.load %arg4[%get3A_2, %get3A_3] : memref<400x64xf32, #tpu.memory_space<vmem>>, vector<400x64xf32>
    %concatenate3A = tpu.concatenate %get3A_1, %get3A_4 in 1 : vector<400x64xf32>, vector<400x64xf32> -> vector<400x128xf32>
    %get3A_5 = arith.constant 0 : index
    %get3A_6 = arith.constant 0 : index
    %get3A_7 = arith.constant 0 : index
    %get3A_8 = vector.load %arg1[%get3A_5, %get3A_6, %get3A_7] : memref<2x400x64xf32, #tpu.memory_space<vmem>>, vector<1x400x64xf32>
    %get3A_9 = vector.shape_cast %get3A_8 : vector<1x400x64xf32> to vector<400x64xf32>
    %get3A_10 = arith.constant 1 : index
    %get3A_11 = arith.constant 0 : index
    %get3A_12 = arith.constant 0 : index
    %get3A_13 = vector.load %arg1[%get3A_10, %get3A_11, %get3A_12] : memref<2x400x64xf32, #tpu.memory_space<vmem>>, vector<1x400x64xf32>
    %get3A_14 = vector.shape_cast %get3A_13 : vector<1x400x64xf32> to vector<400x64xf32>
    %concatenate3A_15 = tpu.concatenate %get3A_9, %get3A_14 in 1 : vector<400x64xf32>, vector<400x64xf32> -> vector<400x128xf32>
    %get3A_16 = arith.constant 0 : index
    %get3A_17 = arith.constant 0 : index
    %get3A_18 = vector.load %arg2[%get3A_16, %get3A_17] : memref<400x16xf32, #tpu.memory_space<vmem>>, vector<400x1xf32>
    %max3A = arith.constant 1.000000e+00 : f32
    %max3A_19 = vector.broadcast %max3A : f32 to vector<400x1xf32>
    %max3A_20 = arith.maximumf %get3A_18, %max3A_19 : vector<400x1xf32>
    %div3A = arith.constant 1.000000e+00 : f32
    %div3A_21 = vector.broadcast %div3A : f32 to vector<400x1xf32>
    %div3A_22 = arith.divf %div3A_21, %max3A_20 : vector<400x1xf32>
    %mul3A = vector.broadcast %div3A_22 : vector<400x1xf32> to vector<400x128xf32>
    %mul3A_23 = arith.mulf %concatenate3A_15, %mul3A : vector<400x128xf32>
    %get3A_24 = arith.constant 0 : index
    %get3A_25 = arith.constant 0 : index
    %get3A_26 = vector.load %arg5[%get3A_24, %get3A_25] : memref<128x128xf32, #tpu.memory_space<vmem>>, vector<128x128xf32>
    %dot_general3A = arith.constant dense<0.000000e+00> : vector<400x128xf32>
    %dot_general3A_27 = tpu.matmul %mul3A_23, %get3A_26, %dot_general3A {dimension_numbers = #tpu.dot_dimension_numbers<[1], [0], [0], [1], [0, 0, 1, 1], [], []>, transpose_lhs_hint = false} : vector<400x128xf32>, vector<128x128xf32>, vector<400x128xf32> -> vector<400x128xf32>
    %get3A_28 = arith.constant 0 : index
    %get3A_29 = arith.constant 0 : index
    %get3A_30 = vector.load %arg6[%get3A_28, %get3A_29] : memref<128x128xf32, #tpu.memory_space<vmem>>, vector<128x128xf32>
    %dot_general3A_31 = arith.constant dense<0.000000e+00> : vector<400x128xf32>
    %dot_general3A_32 = tpu.matmul %concatenate3A, %get3A_30, %dot_general3A_31 {dimension_numbers = #tpu.dot_dimension_numbers<[1], [0], [0], [1], [0, 0, 1, 1], [], []>, transpose_lhs_hint = false} : vector<400x128xf32>, vector<128x128xf32>, vector<400x128xf32> -> vector<400x128xf32>
    %add3A = arith.addf %dot_general3A_27, %dot_general3A_32 : vector<400x128xf32>
    %get3A_33 = arith.constant 0 : index
    %get3A_34 = arith.constant 0 : index
    %get3A_35 = vector.load %arg7[%get3A_33, %get3A_34] : memref<1x128xf32, #tpu.memory_space<vmem>>, vector<1x128xf32>
    %add3A_36 = vector.broadcast %get3A_35 : vector<1x128xf32> to vector<400x128xf32>
    %add3A_37 = arith.addf %add3A, %add3A_36 : vector<400x128xf32>
    %swap3A = arith.constant 0 : index
    %swap3A_38 = arith.constant 0 : index
    %swap3A_39 = vector.load %arg8[%swap3A, %swap3A_38] : memref<400x128xf32, #tpu.memory_space<vmem>>, vector<400x128xf32>
    tpu.vector_store %arg8[%swap3A, %swap3A_38], %add3A_37 {strides = array<i32>} : memref<400x128xf32, #tpu.memory_space<vmem>>, vector<400x128xf32>,
    return
  }
  func.func @transform_0(%arg0: i32) -> (i32, i32, i32) {
    %c0_i32 = arith.constant 0 : i32
    %c0_i32_0 = arith.constant 0 : i32
    %c0_i32_1 = arith.constant 0 : i32
    return %c0_i32, %arg0, %c0_i32_0 : i32, i32, i32
  }
  func.func @transform_1(%arg0: i32) -> (i32, i32) {
    %c0_i32 = arith.constant 0 : i32
    %c0_i32_0 = arith.constant 0 : i32
    return %arg0, %c0_i32 : i32, i32
  }
  func.func @transform_2(%arg0: i32) -> (i32, i32) {
    %c0_i32 = arith.constant 0 : i32
    %c0_i32_0 = arith.constant 0 : i32
    return %arg0, %c0_i32 : i32, i32
  }
  func.func @transform_3(%arg0: i32) -> (i32, i32) {
    %c0_i32 = arith.constant 0 : i32
    %c0_i32_0 = arith.constant 0 : i32
    return %arg0, %c0_i32 : i32, i32
  }
  func.func @transform_4(%arg0: i32) -> (i32, i32) {
    %c0_i32 = arith.constant 0 : i32
    %c0_i32_0 = arith.constant 0 : i32
    %c0_i32_1 = arith.constant 0 : i32
    return %c0_i32, %c0_i32_0 : i32, i32
  }
  func.func @transform_5(%arg0: i32) -> (i32, i32) {
    %c0_i32 = arith.constant 0 : i32
    %c0_i32_0 = arith.constant 0 : i32
    %c0_i32_1 = arith.constant 0 : i32
    return %c0_i32, %c0_i32_0 : i32, i32
  }
  func.func @transform_6(%arg0: i32) -> (i32, i32) {
    %c0_i32 = arith.constant 0 : i32
    %c0_i32_0 = arith.constant 0 : i32
    %c0_i32_1 = arith.constant 0 : i32
    return %c0_i32, %c0_i32_0 : i32, i32
  }
  func.func @transform_7(%arg0: i32) -> (i32, i32) {
    %c0_i32 = arith.constant 0 : i32
    %c0_i32_0 = arith.constant 0 : i32
    return %arg0, %c0_i32 : i32, i32
  }
}

</mosaic_0001>

<sc_bundles>
// kernel: kernel.6.cloned.1.call-start
scs
__scs_entry_jumppad:
0x0: {  	(pc) =	sbr.rel $0x88, $3  }
0x1: {  	(tag) =	ssettag $0x0;
	lr =	simm.s32 $0x1  }
0x2: {  	[smem:$0x3F99] =	sst lr;
	_ =	strace $0xD0000000  }
0x3: {  	_ = 	snop  }
0x4: {  	_ = 	snop  }
0x5: {  	_ = 	snop  }
0x6: {  	_ = 	snop  }
0x7: {  	_ = 	snop  }
__scs_overlays_trampoline_lowered:
0x8: {  	[smem:$0x3FA8] =	sst s0  }
0x9: {  	[smem:$0x3FA9] =	sst s1  }
0xa: {  	[smem:$0x3FAA] =	sst s2  }
0xb: {  	[smem:$0x3FAB] =	sst s3  }
0xc: {  	[smem:$0x3FAC] =	sst s4  }
0xd: {  	[smem:$0x3FAD] =	sst s5  }
0xe: {  	[smem:$0x3FAE] =	sst s6  }
0xf: {  	[smem:$0x3FAF] =	sst s7  }
0x10: {  	[smem:$0x3FB0] =	sst s8  }
0x11: {  	[smem:$0x3FB1] =	sst s9;
	s0 =	simm.s32 @!p0 $0x0  }
0x12: {  	s1 =	sld [smem:$0x3F97];
	s0 =	simm.s32 @p0 $0x1  }
0x13: {  	[smem:$0x3FB2] =	sst s0;
	s0 =	simm.s32 @!p1 $0x0  }
0x14: {  	s2 =	sld [smem:$0x3F96];
	s0 =	simm.s32 @p1 $0x1  }
0x15: {  	[smem:$0x3FB3] =	sst s0;
	s0 =	simm.s32 @!p2 $0x0  }
0x16: {  	s3 =	sld [smem:$0x3FDB];
	s0 =	simm.s32 @p2 $0x1  }
0x17: {  	s4 =	simm.s32 $0x1BF5;
	[smem:$0x3FB5] =	sst s0  }
0x18: {  	s0 =	sld [smem:$0x3F98];
	_ =	swait.ge [sflag:s4], $0x0  }
0x19: {  	s7 =	sld [smem:$0x3F99]  }
0x1a: {  	s8 =	sadd.s32 $0xFFFFE003, lr  }
0x1b: {  	s9 =	sadd.s32 $0xFFFFFEF7, lr;
	s5 =	simm.s32 $0xFFFFFFFF;
	p2 =	slt.u32 s8, $0xFFFFF086  }
0x1c: {  	p1 =	slt.u32 s9, $0xF7A;
	s5 =	simm.s32 @!p2 $0x0  }
0x1d: {  	s5 =	simm.s32 @p1 $0x1;
	p0 =	seq.s32 s7, s2  }
0x1e: {  	s7 =	smul.u32 @!p0 $0xF7A, s2;
	p2 =	seq.s32 @!p0 s5, $0x0  }
0x1f: {  	s9 =	smul.u32 $0xF7A, s1;
	s8 =	simm.s32 @!p0 $0x1BF5;
	p2 =	por !p2, p0  }
0x20: {  	[sflag:s8] =	ssyncset.s32 @!p0 $0xFFFFF086;
	s6 =	sadd.s32 @!p0 s3, s7;
	s7 =	simm.s32 @!p0 $0x108  }
0x21: {  	s3 =	sadd.s32 s3, s9;
	s6 =	sadd.s32 @!p0 $0x88, s6;
	s7 =	simm.s32 @p2 $0x1082  }
0x22: {  	[simem:s7], [sflag:s8] =	dma.local @!p0 [hbm:s6], $0xF7A  }
0x23: {  	s9 =	sor.u32 $0xD0000000, s2;
	s6 =	simm.s32 $0x108;
	_ =	swait.ge @!p0 [sflag:s8], $0x0  }
0x24: {  	s3 =	sadd.s32 $0x88, s3;
	s6 =	simm.s32 @!p1 $0x1082;
	[sflag:s4] =	ssyncset.s32 $0xFFFFF086  }
0x25: {  	[simem:s6], [sflag:s4] =	dma.local [hbm:s3], $0xF7A  }
0x26: {  	[smem:$0x3F99] =	sst s1;
	(tag) =	ssettag s2;
	_ =	strace s9  }
0x27: {  	s1 =	sld [smem:$0x3FA9]  }
0x28: {  	s2 =	sld [smem:$0x3FAA]  }
0x29: {  	s4 =	sld [smem:$0x3FAC]  }
0x2a: {  	p0 =	seq.s32 s5, $0x0;
	s5 =	sld [smem:$0x3FAD]  }
0x2b: {  	s6 =	sld [smem:$0x3FAE]  }
0x2c: {  	s7 =	sld [smem:$0x3FAF]  }
0x2d: {  	s3 =	simm.s32 $0x108;
	s8 =	sld [smem:$0x3FB0]  }
0x2e: {  	s3 =	simm.s32 @!p0 $0x1082;
	s9 =	sld [smem:$0x3FB1]  }
0x2f: {  	lr =	sadd.s32 s0, s3;
	s0 =	sld [smem:$0x3FA8]  }
0x30: {  	s3 =	sld [smem:$0x3FAB]  }
0x31: {  	[smem:$0x3FB4] =	sst s10  }
0x32: {  	s10 =	sld [smem:$0x3FB2];
	_ =	sdelay $0x3  }
0x33: {  	p0 =	seq.s32 s10, $0x1;
	s10 =	sld [smem:$0x3FB4];
	_ =	sdelay $0x3  }
0x34: {  	[smem:$0x3FB4] =	sst s10  }
0x35: {  	s10 =	sld [smem:$0x3FB3];
	_ =	sdelay $0x3  }
0x36: {  	p1 =	seq.s32 s10, $0x1;
	s10 =	sld [smem:$0x3FB4];
	_ =	sdelay $0x3  }
0x37: {  	[smem:$0x3FB4] =	sst s10  }
0x38: {  	s10 =	sld [smem:$0x3FB5]  }
0x39: {  	_ = 	snop;
	(pc) =	sbr.ind lr, $3  }
0x3a: {  	_ = 	snop  }
0x3b: {  	_ = 	snop  }
0x3c: {  	p2 =	seq.s32 s10, $0x1;
	s10 =	sld [smem:$0x3FB4]  }
0x3d: {  	_ =	shalt  }
0x3e: {  	_ =	shalt  }
0x3f: {  	_ =	shalt  }
0x40: {  	_ =	shalt  }
0x41: {  	_ =	shalt  }
0x42: {  	_ =	shalt  }
0x43: {  	_ =	shalt  }
0x44: {  	_ =	shalt  }
0x45: {  	_ =	shalt  }
0x46: {  	_ =	shalt  }
0x47: {  	_ =	shalt  }
0x48: {  	_ =	shalt  }
0x49: {  	_ =	shalt  }
0x4a: {  	_ =	shalt  }
0x4b: {  	_ =	shalt  }
0x4c: {  	_ =	shalt  }
0x4d: {  	_ =	shalt  }
0x4e: {  	_ =	shalt  }
0x4f: {  	_ =	shalt  }
0x50: {  	_ =	shalt  }
0x51: {  	_ =	shalt  }
0x52: {  	_ =	shalt  }
0x53: {  	_ =	shalt  }
0x54: {  	_ =	shalt  }
0x55: {  	_ =	shalt  }
0x56: {  	_ =	shalt  }
0x57: {  	_ =	shalt  }
0x58: {  	_ =	shalt  }
0x59: {  	_ =	shalt  }
0x5a: {  	_ =	shalt  }
0x5b: {  	_ =	shalt  }
0x5c: {  	_ =	shalt  }
0x5d: {  	_ =	shalt  }
0x5e: {  	_ =	shalt  }
0x5f: {  	_ =	shalt  }
0x60: {  	_ =	shalt  }
0x61: {  	_ =	shalt  }
0x62: {  	_ =	shalt  }
0x63: {  	_ =	shalt  }
0x64: {  	_ =	shalt  }
0x65: {  	_ =	shalt  }
0x66: {  	_ =	shalt  }
0x67: {  	_ =	shalt  }
0x68: {  	_ =	shalt  }
0x69: {  	_ =	shalt  }
0x6a: {  	_ =	shalt  }
0x6b: {  	_ =	shalt  }
0x6c: {  	_ =	shalt  }
0x6d: {  	_ =	shalt  }
0x6e: {  	_ =	shalt  }
0x6f: {  	_ =	shalt  }
0x70: {  	_ =	shalt  }
0x71: {  	_ =	shalt  }
0x72: {  	_ =	shalt  }
0x73: {  	_ =	shalt  }
0x74: {  	_ =	shalt  }
0x75: {  	_ =	shalt  }
0x76: {  	_ =	shalt  }
0x77: {  	_ =	shalt  }
0x78: {  	_ =	shalt  }
0x79: {  	_ =	shalt  }
0x7a: {  	_ =	shalt  }
0x7b: {  	_ =	shalt  }
0x7c: {  	_ =	shalt  }
0x7d: {  	_ =	shalt  }
0x7e: {  	_ =	shalt  }
0x7f: {  	_ =	shalt  }
0x80: {  	_ =	shalt  }
0x81: {  	_ =	shalt  }
0x82: {  	_ =	shalt  }
0x83: {  	_ =	shalt  }
0x84: {  	_ =	shalt  }
0x85: {  	_ =	shalt  }
0x86: {  	_ =	shalt  }
0x87: {  	_ =	shalt  }
.Lfunc_end0:
.L_simem_size_0:
called_computation_lowered:
.L_overlay_start_0:
0x88: {  	s2 =	sld [smem:$0x3FD9]  }
0x89: {  	s3 =	sld [smem:$0x3FFE];
	_ =	sdelay $0x1  }
0x8a: {  	s1 =	srdreg.scid  }
0x8b: {  	s0 =	sand.u32 $0x1, s1  }
0x8c: {  	s17 =	sshll.u32 s0, $0xA;
	s2 =	sadd.s32 s3, s2  }
0x8d: {  	s2 =	sadd.s32 s2, s17  }
0x8e: {  	[smem:$0x3FC0] =	sst s2  }
0x8f: {  	_ = 	snop  }
0x90: {  	s2 =	sld [smem:$0x3FD0];
	(tm) =	ssettm $0x1  }
0x91: {  	s18 =	sld [smem:$0x3FFB];
	_ =	sdelay $0x3  }
0x92: {  	_ =	strace s18  }
0x93: {  	s3 =	sld [smem:$0x3FFC];
	_ =	sdelay $0x3  }
0x94: {  	_ =	strace s3  }
0x95: {  	s3 =	sld [smem:$0x3FFD];
	_ =	sdelay $0x3  }
0x96: {  	_ =	strace s3  }
0x97: {  	_ =	strace $0x8FFFFFFF  }
0x98: {  	s19 =	sld [smem:$0x3FDB];
	_ =	sdelay $0x1  }
0x99: {  	s4 =	simm.s32 $_scs_section_size  }
0x9a: {  	s5 =	simm.s32 $_size__tile_overlayer_lowered;
	s6 =	simm.s32 $_tile_overlayer_lowered  }
0x9b: {  	s22 =	simm.s32 $0x1BFF;
	s21 =	sshll.u32 s6, $0x1;
	s3 =	sadd.s32 s4, s19  }
0x9c: {  	s7 =	simm.s32 $0x0;
	s20 =	sshll.u32 s5, $0x1;
	s5 =	sadd.s32 s21, s3  }
0x9d: {  	[timem:s7], [sflag:s22] =	dma.local [hbm:s5], s20  }
0x9e: {  	_ =	swait.ge [sflag:s22], s20  }
0x9f: {  	s4 =	ssub.s32 $0x0, s20;
	[sflag:s22] =	ssyncset.done $0x0  }
0xa0: {  	[sflag:s22] =	ssyncadd.s32 s4;
	_ =	sdelay $0x1  }
0xa1: {  	s23 =	simm.s32 $0x1B8B  }
0xa2: {  	_ =	swait.ge [sflag:s23], $0x1  }
0xa3: {  	[sflag:s23] =	ssyncset.done $0x0  }
0xa4: {  	s25 =	simm.s32 $0x1B8E;
	s24 =	sld [smem:$0x3FFE];
	[sflag:s23] =	ssyncadd.s32 $0xFFFFFFFF  }
0xa5: {  	s26 =	simm.s32 $execute0_lowered;
	[smem:$0x3FD2] =	sst s25  }
0xa6: {  	s5 =	sshll.u32 s26, $0x1;
	_ =	strace $0x80000046;
	[dreg:$0x1] =	wrdreg $0xFFFFFFFF  }
0xa7: {  	s28 =	simm.s32 $_size_execute0_lowered;
	s3 =	sadd.s32 s3, s5;
	[dreg:$0x0] =	wrdreg $0x0  }
0xa8: {  	s5 =	sshll.u32 s28, $0x1;
	[dreg:$0x2] =	wrdreg s3  }
0xa9: {  	[dreg:$0x3] =	wrdreg s5  }
0xaa: {  	[dreg:$0x4] =	wrdreg $0xC0  }
0xab: {  	_ =	task [dreg:s7], $0x5FFFF  }
0xac: {  	[dreg:$0x1] =	wrdreg $0xFFFFFFFF  }
0xad: {  	[dreg:$0x0] =	wrdreg $0x60  }
0xae: {  	[dreg:$0x2] =	wrdreg s24  }
0xaf: {  	[dreg:$0x3] =	wrdreg s2  }
0xb0: {  	[dreg:$0x4] =	wrdreg $0x74400  }
0xb1: {  	[dreg:$0x5] =	wrdreg $0x110800  }
0xb2: {  	[dreg:$0x6] =	wrdreg $0x9  }
0xb3: {  	_ =	task.clear_ibuf [dreg:s7], $0x7FFFF;
	_ =	strace $0x90000046  }
0xb4: {  	s29 =	simm.s32 $0x9;
	_ =	strace $0x80000048  }
0xb5: {  	_ =	swait.ge [sflag:s29], $0x1  }
0xb6: {  	[sflag:s29] =	ssyncadd.s32 $0xFFFFFFFF  }
0xb7: {  	_ =	strace $0x90000048  }
0xb8: {  	_ =	sfence  }
0xb9: {  	s30 =	sld [smem:$0x0];
	_ =	sdelay $0x2  }
0xba: {  	s31 =	sshll.u32 s1, $0xD;
	s1 =	sshrl.u32 s1, $0x2  }
0xbb: {  	s3 =	sand.u32 $0x4000, s31;
	s1 =	sadd.s32 s1, s30  }
0xbc: {  	s0 =	sor.u32 s3, s0;
	s1 =	sshll.u32 s1, $0x11  }
0xbd: {  	s0 =	sor.u32 s1, s0  }
0xbe: {  	s0 =	sadd.s32 $0x8F2B, s0  }
0xbf: {  	[sflag:s0] =	ssyncadd.remote.s32 $0x1  }
0xc0: {  	_ =	sfence.sel $0xFFFF  }
0xc1: {  	[dreg:$0x0] =	wrdreg $0xFFFFFFFF;
	(pc) =	sbr.abs _section_cstart, $3  }
0xc2: {  	[dreg:$0x1] =	wrdreg $0xFFFFFFFF  }
0xc3: {  	_ =	task.clear_ibuf [dreg:s7], $0x2FFFF;
	_ =	strace $0x9FFFFFFF  }
0xc4: {  	(tm) =	ssettm $0x7FFFFFFF  }
0xc5: {  	_ =	shalt  }
tec
execute0_lowered:
.L_overlay_start_1:
0x0: {  	(tag) =	ssettag $0x1  }
0x1: {  	s0 =	rddreg [dreg:$0x0]  }
0x2: {  	s1 =	rddreg [dreg:$0x1]  }
0x3: {  	s2 =	rddreg [dreg:$0x2]  }
0x4: {  	s3 =	rddreg [dreg:$0x3];
	s4 =	simm.s32 $0x0;
	s18 =	stileid.u32  }
0x5: {  	s5 =	srdreg.scid;
	s28 =	simm.s32 $0x7380;
	s29 =	simm.s32 $0x80  }
0x6: {  	s30 =	simm.s32 $0x4100;
	s31 =	simm.s32 $0x1;
	s6 =	smul.u32 $0x2700, s18  }
0x7: {  	[smem:$0x7FF] =	sst s4;
	s7 =	sand.u32 $0x1, s5;
	s11 =	smul.u32 $0x270, s18  }
0x8: {  	s10 =	sadd.s32 $0xB600, s0;
	s13 =	sadd.s32 $0x1800, s0;
	s16 =	smul.u32 $0x9C00, s18  }
0x9: {  	s26 =	smul.u32 $0x4E20, s18;
	_ =	strace $0x80000047;
	s5 =	ssub.s32 $0x2, s7  }
0xa: {  	p0 =	seq.s32 s7, $0x0;
	s17 =	smul.u32 $0x9C400, s7;
	p1 =	sne.s32 s7, $0x0  }
0xb: {  	s7 =	simm.s32 $0x6100;
	s8 =	sshrl.u32 s6, $0x3;
	s9 =	sshrl.u32 s5, $0x1  }
0xc: {  	s12 =	sadd.s32 $0xD0, s11;
	s11 =	sadd.s32 $0x1A0, s11;
	p2 =	sne.s32 @!p1 s18, $0xF  }
0xd: {  	s14 =	sadd.s32 s8, s0;
	s15 =	ssub.s32 s5, s9;
	s23 =	sshll.u32 s12, $0x6  }
0xe: {  	s24 =	sshll.u32 s11, $0x6;
	s5 =	sadd.s32 s16, s2;
	s9 =	sadd.s32 s6, s3  }
0xf: {  	s12 =	sshll.u32 s12, $0x4;
	s11 =	sshll.u32 s11, $0x4;
	s6 =	sshrl.u32 s26, $0x3  }
0x10: {  	s19 =	sadd.s32 s16, s17;
	s21 =	sshrl.u32 s17, $0x3;
	s8 =	sadd.s32 s23, s2  }
0x11: {  	p2 =	por p2, p1;
	s25 =	sadd.s32 s24, s2;
	[dreg:$0x5] =	wrdreg s8  }
0x12: {  	s12 =	sadd.s32 s12, s3;
	s11 =	sadd.s32 s11, s3;
	[dreg:$0x6] =	wrdreg s25  }
0x13: {  	s6 =	sadd.s32 $0x9C0, s6;
	s23 =	smul.u32 $0x9C4, s18;
	[dreg:$0x7] =	wrdreg s12  }
0x14: {  	s24 =	sadd.s32 $0x3C800, s14;
	s26 =	smax.u32 s15, $0x1;
	[dreg:$0x8] =	wrdreg s11  }
0x15: {  	s8 =	sadd.s32 $0x9C000, s2;
	s12 =	sadd.s32 $0x27000, s3;
	[dreg:$0xd] =	wrdreg s24  }
0x16: {  	s20 =	sadd.s32 s10, s6;
	s11 =	sshrl.u32 s19, $0x3;
	[dreg:$0xf] =	wrdreg s26  }
0x17: {  	s6 =	sadd.s32 s13, s6;
	s25 =	sadd.s32 $0x41600, s0;
	[dreg:$0x9] =	wrdreg s20  }
0x18: {  	s24 =	simm.s32 $0x3400;
	s26 =	simm.s32 $0x3;
	[dreg:$0xa] =	wrdreg s6  }
0x19: {  	s22 =	sadd.s32 s1, s11;
	s1 =	sadd.s32 s1, s21;
	[dreg:$0xe] =	wrdreg s25  }
0x1a: {  	s21 =	sadd.s32 s23, s13;
	s25 =	simm.s32 $0x7300;
	s6 =	simm.s32 $0x20  }
0x1b: {  	[dreg:$0xb] =	wrdreg s22;
	s1 =	sadd.s32 $0x13800, s1;
	s22 =	sadd.s32 s23, s10  }
0x1c: {  	s23 =	simm.s32 $0x2;
	[dreg:$0xc] =	wrdreg s1;
	s1 =	simm.s32 $0x28E00  }
0x1d: {  	s10 =	simm.s32 $0x0;
	s1 =	simm.s32 @!p0 $0x15400;
	p0 =	sne.s32 s18, $0xF  }
0x1e: {  	v0 =	vimm.f32 $0.0e+00;
	v1 =	vimm.f32 $1.000000000e+00;
	s20 =	sadd.s32 s1, s0;
	s0 =	simm.s32 $0x7400;
	s1 =	simm.s32 $0x7420  }
.LBB2_1:
0x1f: {  	s13 =	simm.s32 $0x100;
	s11 =	simm.s32 $0x0  }
.LBB2_2:
0x20: {  	p3 =	sne.s32 s13, $0xCF00;
	[tilespmem:s11+$0x30] =	vst v0;
	s14 =	smov.u32 s13;
	s13 =	sadd.s32 $0x100, s13  }
.Ltmp0:
0x21: {  	[tilespmem:s11+$0x20] =	vst v0;
	(pc) =	sbr.rel @p3 .LBB2_2-.Ltmp0, $3  }
0x22: {  	[tilespmem:s11+$0x0] =	vst v0  }
0x23: {  	[tilespmem:s11+$0x10] =	vst v0;
	_ =	sdelay $0x1  }
0x24: {  	s11 =	sshra.s32 s14, $0x2  }
0x25: {  	[tilespmem:s11+$0x30] =	vst v0  }
0x26: {  	[tilespmem:s11+$0x20] =	vst v0  }
0x27: {  	[tilespmem:s11+$0x0] =	vst v0  }
0x28: {  	[tilespmem:s11+$0x10] =	vst v0  }
0x29: {  	[spmem:s5] =	stream.linear.scatter [tilespmem:s4], [sflag:$0x2], $0x3400, $0x38;
	[tilespmem:$0x13790] =	vst v63  }
0x2a: {  	_ =	swait.ge [sflag:s23], $0x3400  }
0x2b: {  	[sflag:s23] =	ssyncset.done $0x0  }
0x2c: {  	s18 =	rddreg [dreg:$0x5];
	[sflag:s23] =	ssyncadd.s32 $0xFFFFCC00  }
0x2d: {  	[spmem:s18] =	stream.linear.scatter [tilespmem:s4], [sflag:$0x2], $0x3400, $0x38;
	[tilespmem:$0x13790] =	vst v63  }
0x2e: {  	_ =	swait.ge [sflag:s23], $0x3400  }
0x2f: {  	[sflag:s23] =	ssyncset.done $0x0  }
0x30: {  	s19 =	rddreg [dreg:$0x6];
	[sflag:s23] =	ssyncadd.s32 $0xFFFFCC00  }
0x31: {  	[spmem:s19] =	stream.linear.scatter [tilespmem:s4], [sflag:$0x2], $0x3400, $0x38;
	[tilespmem:$0x13790] =	vst v63  }
0x32: {  	_ =	swait.ge [sflag:s23], $0x3400  }
0x33: {  	[sflag:s23] =	ssyncset.done $0x0  }
0x34: {  	s11 =	simm.s32 @!p0 $0x0;
	[sflag:s23] =	ssyncadd.s32 $0xFFFFCC00  }
0x35: {  	[spmem:s8] =	stream.linear.scatter @!p0 [tilespmem:s11], [sflag:$0x2], $0x400, $0x38;
	[tilespmem:$0x13790] =	vst v63  }
0x36: {  	s11 =	simm.s32 @!p0 $0x2  }
0x37: {  	_ =	swait.ge @!p0 [sflag:s11], $0x400  }
0x38: {  	[sflag:s11] =	ssyncset.done @!p0 $0x0  }
0x39: {  	s13 =	simm.s32 $0x0;
	[sflag:s11] =	ssyncadd.s32 @!p0 $0xFFFFFC00;
	s11 =	simm.s32 $0x40  }
.LBB2_4:
0x3a: {  	p3 =	sne.s32 s11, $0x33C0;
	[tilespmem:s13+$0x3400] =	vst v0;
	s13 =	smov.u32 s11;
	s11 =	sadd.s32 $0x40, s11  }
.Ltmp1:
0x3b: {  	(pc) =	sbr.rel @p3 .LBB2_4-.Ltmp1, $2  }
0x3c: {  	_ =	sdelay $0x2  }
0x3d: {  	s13 =	sshra.s32 s13, $0x2  }
0x3e: {  	[tilespmem:s13+$0x3400] =	vst v0;
	s11 =	simm.s32 $0x40;
	s13 =	simm.s32 $0x0  }
.LBB2_6:
0x3f: {  	p3 =	sne.s32 s11, $0x1FC0;
	[tilespmem:s13+$0x6900] =	vst v1;
	s13 =	smov.u32 s11;
	s11 =	sadd.s32 $0x40, s11  }
.Ltmp2:
0x40: {  	(pc) =	sbr.rel @p3 .LBB2_6-.Ltmp2, $2  }
0x41: {  	_ =	sdelay $0x2  }
0x42: {  	s13 =	sshra.s32 s13, $0x2  }
0x43: {  	[tilespmem:s13+$0x6900] =	vst v1  }
0x44: {  	[tilespmem:$0x7100] =	vst v1  }
0x45: {  	[tilespmem:$0x7110] =	vst v1  }
0x46: {  	[tilespmem:$0x7120] =	vst v1  }
0x47: {  	[tilespmem:$0x7130] =	vst v1  }
0x48: {  	[tilespmem:$0x7140] =	vst v1  }
0x49: {  	[tilespmem:$0x7150] =	vst v1  }
0x4a: {  	[tilespmem:$0x7160] =	vst v1  }
0x4b: {  	[tilespmem:$0x7170] =	vst v1  }
0x4c: {  	[tilespmem:$0x7180] =	vst v1  }
0x4d: {  	[tilespmem:$0x7190] =	vst v1  }
0x4e: {  	[tilespmem:$0x71A0] =	vst v1  }
0x4f: {  	[tilespmem:$0x71B0] =	vst v1  }
0x50: {  	[tilespmem:$0x71C0] =	vst v1  }
0x51: {  	[tilespmem:$0x71D0] =	vst v1  }
0x52: {  	[tilespmem:$0x71E0] =	vst v1  }
0x53: {  	[tilespmem:$0x71F0] =	vst v1  }
0x54: {  	[tilespmem:$0x7200] =	vst v1  }
0x55: {  	[tilespmem:$0x7210] =	vst v1  }
0x56: {  	[tilespmem:$0x7220] =	vst v1  }
0x57: {  	[tilespmem:$0x7230] =	vst v1  }
0x58: {  	[tilespmem:$0x7240] =	vst v1  }
0x59: {  	[tilespmem:$0x7250] =	vst v1  }
0x5a: {  	[tilespmem:$0x7260] =	vst v1  }
0x5b: {  	[tilespmem:$0x7270] =	vst v1  }
0x5c: {  	[tilespmem:$0x7280] =	vst v1  }
0x5d: {  	[tilespmem:$0x7290] =	vst v1  }
0x5e: {  	[tilespmem:$0x72A0] =	vst v1  }
0x5f: {  	[tilespmem:$0x72B0] =	vst v1  }
0x60: {  	[tilespmem:$0x72C0] =	vst v1  }
0x61: {  	[tilespmem:$0x72D0] =	vst v1  }
0x62: {  	[tilespmem:$0x72E0] =	vst v1  }
0x63: {  	[tilespmem:$0x72F0] =	vst v1  }
0x64: {  	[spmem:s9] =	stream.linear.scatter [tilespmem:s24], [sflag:$0x2], $0xD00, $0x38;
	[tilespmem:$0x13790] =	vst v63  }
0x65: {  	_ =	swait.ge [sflag:s23], $0xD00  }
0x66: {  	[sflag:s23] =	ssyncset.done $0x0  }
0x67: {  	s11 =	rddreg [dreg:$0x7];
	[sflag:s23] =	ssyncadd.s32 $0xFFFFF300  }
0x68: {  	[spmem:s11] =	stream.linear.scatter [tilespmem:s24], [sflag:$0x2], $0xD00, $0x38;
	[tilespmem:$0x13790] =	vst v63  }
0x69: {  	_ =	swait.ge [sflag:s23], $0xD00  }
0x6a: {  	[sflag:s23] =	ssyncset.done $0x0  }
0x6b: {  	s17 =	rddreg [dreg:$0x8];
	[sflag:s23] =	ssyncadd.s32 $0xFFFFF300  }
0x6c: {  	[spmem:s17] =	stream.linear.scatter [tilespmem:s24], [sflag:$0x2], $0xD00, $0x38;
	[tilespmem:$0x13790] =	vst v63  }
0x6d: {  	_ =	swait.ge [sflag:s23], $0xD00  }
0x6e: {  	[sflag:s23] =	ssyncset.done $0x0  }
0x6f: {  	s11 =	simm.s32 @!p0 $0x3400;
	[sflag:s23] =	ssyncadd.s32 $0xFFFFF300  }
0x70: {  	[spmem:s12] =	stream.linear.scatter @!p0 [tilespmem:s11], [sflag:$0x2], $0x100, $0x38;
	[tilespmem:$0x13790] =	vst v63  }
0x71: {  	s11 =	simm.s32 @!p0 $0x2  }
0x72: {  	_ =	swait.ge @!p0 [sflag:s11], $0x100  }
0x73: {  	[sflag:s11] =	ssyncset.done @!p0 $0x0  }
0x74: {  	[sflag:s11] =	ssyncadd.s32 @!p0 $0xFFFFFF00  }
0x75: {  	s18 =	sadd.s32 $0x0, s22;
	[bflag:$0x0] =	sbarrier.arrive $0xFFFF  }
0x76: {  	[tilespmem:s25], [sflag:$0x3] =	stream.linear.gather [hbm4b:s18+s4], $0x80, $0x38;
	[tilespmem:$0x13790] =	vst v63  }
0x77: {  	_ =	swait.ge [sflag:s26], $0x80  }
0x78: {  	[sflag:s26] =	ssyncset.done $0x0  }
0x79: {  	s19 =	sadd.s32 $0x0, s21;
	[sflag:s26] =	ssyncadd.s32 $0xFFFFFF80  }
0x7a: {  	[tilespmem:s28], [sflag:$0x3] =	stream.linear.gather [hbm4b:s19+s4], $0x80, $0x38;
	[tilespmem:$0x13790] =	vst v63  }
0x7b: {  	_ =	swait.ge [sflag:s26], $0x80  }
0x7c: {  	[sflag:s26] =	ssyncset.done $0x0  }
0x7d: {  	[sflag:s26] =	ssyncadd.s32 $0xFFFFFF80  }
0x7e: {  	[tilespmem:s30], [sflag:$0x1] =	stream.indirect.gather [hbm4b:s20+s29], $0x40, s25, s29, $0xb8;
	[tilespmem:$0x13790] =	vst v63  }
0x7f: {  	_ =	swait.ge [sflag:s31], $0x2000  }
0x80: {  	[sflag:s31] =	ssyncset.done $0x0  }
0x81: {  	[sflag:s31] =	ssyncadd.s32 $0xFFFFE000  }
0x82: {  	[spmem:s2] =	stream.indirect.scatter.add.f32 [tilespmem:s30], [sflag:$0x3], $0x40, s28, s29, $0xb8;
	[tilespmem:$0x13790] =	vst v63  }
0x83: {  	_ =	swait.ge [sflag:s26], $0x2000  }
0x84: {  	s14 =	simm.s32 @!p1 $0x6900;
	s15 =	simm.s32 @!p1 $0x80;
	[sflag:s26] =	ssyncset.done $0x0  }
0x85: {  	s16 =	simm.s32 @!p1 $0x7380;
	s11 =	simm.s32 @!p1 $0x2;
	[sflag:s26] =	ssyncadd.s32 $0xFFFFE000  }
0x86: {  	[spmem:s3] =	stream.indirect.scatter.add.f32 @!p1 [tilespmem:s14], [sflag:$0x2], $0x10, s16, s15, $0xb8;
	[tilespmem:$0x13790] =	vst v63  }
0x87: {  	_ =	swait.ge @!p1 [sflag:s11], $0x800  }
0x88: {  	s13 =	simm.s32 $0x10;
	s17 =	simm.s32 $0x20;
	[sflag:s11] =	ssyncset.done @!p1 $0x0  }
.LBB2_8:
0x89: {  	s18 =	sadd.s32 s13, s22  }
0x8a: {  	[sflag:s11] =	ssyncadd.s32 @!p1 $0xFFFFF800;
	s19 =	smov.u32 s17;
	s17 =	sadd.s32 $0x10, s17  }
0x8b: {  	[tilespmem:s25], [sflag:$0x3] =	stream.linear.gather [hbm4b:s18+s4], $0x80, $0x38;
	[tilespmem:$0x13790] =	vst v63  }
0x8c: {  	p3 =	sne.s32 s17, $0x9C0;
	_ =	swait.ge [sflag:s26], $0x80  }
0x8d: {  	[sflag:s26] =	ssyncset.done $0x0  }
0x8e: {  	s18 =	sadd.s32 s13, s21;
	s13 =	smov.u32 s19;
	[sflag:s26] =	ssyncadd.s32 $0xFFFFFF80  }
0x8f: {  	[tilespmem:s28], [sflag:$0x3] =	stream.linear.gather [hbm4b:s18+s4], $0x80, $0x38;
	[tilespmem:$0x13790] =	vst v63  }
0x90: {  	_ =	swait.ge [sflag:s26], $0x80  }
0x91: {  	[sflag:s26] =	ssyncset.done $0x0  }
0x92: {  	[sflag:s26] =	ssyncadd.s32 $0xFFFFFF80  }
0x93: {  	[tilespmem:s30], [sflag:$0x1] =	stream.indirect.gather [hbm4b:s20+s29], $0x40, s25, s29, $0xb8;
	[tilespmem:$0x13790] =	vst v63  }
0x94: {  	_ =	swait.ge [sflag:s31], $0x2000  }
0x95: {  	[sflag:s31] =	ssyncset.done $0x0  }
0x96: {  	[sflag:s31] =	ssyncadd.s32 $0xFFFFE000  }
0x97: {  	[spmem:s2] =	stream.indirect.scatter.add.f32 [tilespmem:s30], [sflag:$0x3], $0x40, s28, s29, $0xb8;
	[tilespmem:$0x13790] =	vst v63  }
0x98: {  	_ =	swait.ge [sflag:s26], $0x2000  }
.Ltmp3:
0x99: {  	[sflag:s26] =	ssyncset.done $0x0;
	(pc) =	sbr.rel @p3 .LBB2_8-.Ltmp3, $4  }
0x9a: {  	[sflag:s26] =	ssyncadd.s32 $0xFFFFE000  }
0x9b: {  	[spmem:s3] =	stream.indirect.scatter.add.f32 @!p1 [tilespmem:s14], [sflag:$0x2], $0x10, s16, s15, $0xb8;
	[tilespmem:$0x13790] =	vst v63  }
0x9c: {  	_ =	swait.ge @!p1 [sflag:s11], $0x800  }
0x9d: {  	[sflag:s11] =	ssyncset.done @!p1 $0x0  }
0x9e: {  	s14 =	sadd.s32 s13, s22;
	[sflag:s11] =	ssyncadd.s32 @!p1 $0xFFFFF800  }
0x9f: {  	[tilespmem:s25], [sflag:$0x3] =	stream.linear.gather [hbm4b:s14+s4], $0x80, $0x38;
	[tilespmem:$0x13790] =	vst v63  }
0xa0: {  	_ =	swait.ge [sflag:s26], $0x80  }
0xa1: {  	[sflag:s26] =	ssyncset.done $0x0  }
0xa2: {  	s13 =	sadd.s32 s13, s21;
	[sflag:s26] =	ssyncadd.s32 $0xFFFFFF80  }
0xa3: {  	[tilespmem:s28], [sflag:$0x3] =	stream.linear.gather [hbm4b:s13+s4], $0x80, $0x38;
	[tilespmem:$0x13790] =	vst v63  }
0xa4: {  	_ =	swait.ge [sflag:s26], $0x80  }
0xa5: {  	[sflag:s26] =	ssyncset.done $0x0  }
0xa6: {  	[sflag:s26] =	ssyncadd.s32 $0xFFFFFF80  }
0xa7: {  	[tilespmem:s30], [sflag:$0x1] =	stream.indirect.gather [hbm4b:s20+s29], $0x40, s25, s29, $0xb8;
	[tilespmem:$0x13790] =	vst v63  }
0xa8: {  	_ =	swait.ge [sflag:s31], $0x2000  }
0xa9: {  	[sflag:s31] =	ssyncset.done $0x0  }
0xaa: {  	[sflag:s31] =	ssyncadd.s32 $0xFFFFE000  }
0xab: {  	[spmem:s2] =	stream.indirect.scatter.add.f32 [tilespmem:s30], [sflag:$0x3], $0x40, s28, s29, $0xb8;
	[tilespmem:$0x13790] =	vst v63  }
0xac: {  	_ =	swait.ge [sflag:s26], $0x2000  }
0xad: {  	s11 =	simm.s32 @!p1 $0x2;
	s15 =	simm.s32 @!p1 $0x7380;
	[sflag:s26] =	ssyncset.done $0x0  }
0xae: {  	s14 =	simm.s32 @!p1 $0x80;
	s13 =	simm.s32 @!p1 $0x6900;
	[sflag:s26] =	ssyncadd.s32 $0xFFFFE000  }
0xaf: {  	[spmem:s3] =	stream.indirect.scatter.add.f32 @!p1 [tilespmem:s13], [sflag:$0x2], $0x10, s15, s14, $0xb8;
	[tilespmem:$0x13790] =	vst v63  }
0xb0: {  	_ =	swait.ge @!p1 [sflag:s11], $0x800  }
0xb1: {  	[sflag:s11] =	ssyncset.done @!p1 $0x0  }
0xb2: {  	s14 =	rddreg [dreg:$0x9];
	[sflag:s11] =	ssyncadd.s32 @!p1 $0xFFFFF800  }
0xb3: {  	[tilespmem:s0], [sflag:$0x2] =	stream.linear.gather [hbm4b:s14+s4], $0x20, $0x38;
	[tilespmem:$0x13790] =	vst v63  }
0xb4: {  	_ =	swait.ge [sflag:s23], $0x20  }
0xb5: {  	[sflag:s23] =	ssyncset.done $0x0  }
0xb6: {  	s15 =	rddreg [dreg:$0xa];
	[sflag:s23] =	ssyncadd.s32 $0xFFFFFFE0  }
0xb7: {  	[tilespmem:s1], [sflag:$0x2] =	stream.linear.gather [hbm4b:s15+s4], $0x20, $0x38;
	[tilespmem:$0x13790] =	vst v63  }
0xb8: {  	_ =	swait.ge [sflag:s23], $0x20  }
0xb9: {  	[sflag:s23] =	ssyncset.done $0x0  }
0xba: {  	[sflag:s23] =	ssyncadd.s32 $0xFFFFFFE0  }
0xbb: {  	[tilespmem:s7], [sflag:$0x1] =	stream.indirect.gather [hbm4b:s20+s6], $0x40, s0, s6, $0xb8;
	[tilespmem:$0x13790] =	vst v63  }
0xbc: {  	_ =	swait.ge [sflag:s31], $0x800  }
0xbd: {  	[sflag:s31] =	ssyncset.done $0x0  }
0xbe: {  	[sflag:s31] =	ssyncadd.s32 $0xFFFFF800  }
0xbf: {  	[spmem:s2] =	stream.indirect.scatter.add.f32 [tilespmem:s7], [sflag:$0x2], $0x40, s1, s6, $0xb8;
	[tilespmem:$0x13790] =	vst v63  }
0xc0: {  	_ =	swait.ge [sflag:s23], $0x800  }
0xc1: {  	s13 =	simm.s32 @!p1 $0x20;
	[sflag:s23] =	ssyncset.done $0x0  }
0xc2: {  	s14 =	simm.s32 @!p1 $0x7420;
	s15 =	simm.s32 @!p1 $0x7100;
	[sflag:s23] =	ssyncadd.s32 $0xFFFFF800  }
0xc3: {  	[spmem:s3] =	stream.indirect.scatter.add.f32 @!p1 [tilespmem:s15], [sflag:$0x2], $0x10, s14, s13, $0xb8;
	[tilespmem:$0x13790] =	vst v63  }
0xc4: {  	_ =	swait.ge @!p1 [sflag:s11], $0x200  }
0xc5: {  	[sflag:s11] =	ssyncset.done @!p1 $0x0  }
0xc6: {  	s16 =	stileid.u32;
	[sflag:s11] =	ssyncadd.s32 @!p1 $0xFFFFFE00  }
0xc7: {  	s13 =	sshll.u32 s16, $0x6;
	[bflag:$0x0] =	sbarrier.arrive $0xFFFF  }
0xc8: {  	s17 =	sshrl.u32 s5, $0x3;
	s13 =	sor.u32 $0x1C02, s13;
	s18 =	rddreg [dreg:$0xb]  }
0xc9: {  	[hbm:s18], [sflag:s13] =	dma.local [spmem:s17], $0x1380  }
0xca: {  	_ =	swait.ge [sflag:s23], $0x1380  }
0xcb: {  	[sflag:s23] =	ssyncset.done $0x0  }
0xcc: {  	s14 =	sshrl.u32 @!p0 s8, $0x3;
	s15 =	rddreg [dreg:$0xc];
	[sflag:s23] =	ssyncadd.s32 $0xFFFFEC80  }
0xcd: {  	[hbm:s15], [sflag:s13] =	dma.local @!p0 [spmem:s14], $0x80  }
0xce: {  	s14 =	simm.s32 @!p0 $0x2  }
0xcf: {  	_ =	swait.ge @!p0 [sflag:s14], $0x80  }
0xd0: {  	[sflag:s14] =	ssyncset.done @!p0 $0x0  }
0xd1: {  	s15 =	rddreg [dreg:$0xd];
	[sflag:s14] =	ssyncadd.s32 @!p0 $0xFFFFFF80;
	s14 =	sshrl.u32 @!p1 s9, $0x3  }
0xd2: {  	[hbm:s15], [sflag:s13] =	dma.local @!p1 [spmem:s14], $0x4E0  }
0xd3: {  	_ =	swait.ge @!p1 [sflag:s11], $0x4E0  }
0xd4: {  	[sflag:s11] =	ssyncset.done @!p1 $0x0  }
0xd5: {  	s14 =	rddreg [dreg:$0xe];
	[sflag:s11] =	ssyncadd.s32 @!p1 $0xFFFFFB20;
	s11 =	sshrl.u32 @!p2 s12, $0x3  }
0xd6: {  	[hbm:s14], [sflag:s13] =	dma.local @!p2 [spmem:s11], $0x20  }
0xd7: {  	s11 =	simm.s32 @!p2 $0x2  }
0xd8: {  	_ =	swait.ge @!p2 [sflag:s11], $0x20  }
0xd9: {  	s10 =	sadd.s32 $0x1, s10;
	s19 =	rddreg [dreg:$0xf]  }
0xda: {  	p3 =	sne.s32 s10, s19  }
.Ltmp4:
0xdb: {  	_ = 	snop;
	(pc) =	sbr.rel @p3 .LBB2_1-.Ltmp4, $3  }
0xdc: {  	_ =	sdelay $0x1  }
0xdd: {  	[sflag:s11] =	ssyncset.done @!p2 $0x0  }
0xde: {  	[sflag:s11] =	ssyncadd.s32 @!p2 $0xFFFFFFE0  }
0xdf: {  	_ =	sfence.sel $0x180000  }
0xe0: {  	[bflag:$0x0] =	sbarrier.arrive $0xFFFF  }
0xe1: {  	_ =	strace $0x90000047  }
0xe2: {  	s0 =	stileid.u32;
	[bflag:$0x2] =	sbarrier.arrive $0xFFFF  }
0xe3: {  	p0 =	sne.s32 s0, $0x0;
	s0 =	rddreg [dreg:$0x4]  }
0xe4: {  	s0 =	sadd.s32 @!p0 $0x100000, s0  }
0xe5: {  	[sflag:s0] =	ssyncadd.tile.s32 @!p0 $0x1;
	_ =	shalt  }
.Lfunc_end2:
_tile_overlayer_lowered:
.L_overlay_start_2:
0xe6: {  	(tag) =	ssettag $0x2  }
0xe7: {  	s0 =	rddreg [dreg:$0x0];
	s2 =	stileid.u32  }
0xe8: {  	s1 =	rddreg [dreg:$0x1];
	p0 =	sne.s32 s2, $0x0  }
0xe9: {  	s3 =	rddreg [dreg:$0x2];
	[bflag:$0x3] =	sbarrier.arrive $0xFFFF;
	s2 =	simm.s32 @!p0 $0x1C02  }
0xea: {  	[timem:s3], [sflag:s2] =	dma.local @!p0 [hbm:s0], s1  }
0xeb: {  	s0 =	simm.s32 @!p0 $0x2  }
0xec: {  	_ =	swait.ge @!p0 [sflag:s0], s1  }
0xed: {  	s1 =	ssub.s32 @!p0 $0x0, s1;
	[sflag:s0] =	ssyncset.done @!p0 $0x0  }
0xee: {  	[sflag:s0] =	ssyncadd.s32 @!p0 s1  }
0xef: {  	[bflag:$0x3] =	sbarrier.arrive $0xFFFF  }
0xf0: {  	_ =	shalt  }

// kernel: kernel.9.cloned.1.call-start
scs
__scs_entry_jumppad:
0x0: {  	(pc) =	sbr.rel $0x88, $3  }
0x1: {  	(tag) =	ssettag $0x0;
	lr =	simm.s32 $0x1  }
0x2: {  	[smem:$0x3F99] =	sst lr;
	_ =	strace $0xD0000000  }
0x3: {  	_ = 	snop  }
0x4: {  	_ = 	snop  }
0x5: {  	_ = 	snop  }
0x6: {  	_ = 	snop  }
0x7: {  	_ = 	snop  }
__scs_overlays_trampoline_lowered:
0x8: {  	[smem:$0x3FA8] =	sst s0  }
0x9: {  	[smem:$0x3FA9] =	sst s1  }
0xa: {  	[smem:$0x3FAA] =	sst s2  }
0xb: {  	[smem:$0x3FAB] =	sst s3  }
0xc: {  	[smem:$0x3FAC] =	sst s4  }
0xd: {  	[smem:$0x3FAD] =	sst s5  }
0xe: {  	[smem:$0x3FAE] =	sst s6  }
0xf: {  	[smem:$0x3FAF] =	sst s7  }
0x10: {  	[smem:$0x3FB0] =	sst s8  }
0x11: {  	[smem:$0x3FB1] =	sst s9;
	s0 =	simm.s32 @!p0 $0x0  }
0x12: {  	s1 =	sld [smem:$0x3F97];
	s0 =	simm.s32 @p0 $0x1  }
0x13: {  	[smem:$0x3FB2] =	sst s0;
	s0 =	simm.s32 @!p1 $0x0  }
0x14: {  	s2 =	sld [smem:$0x3F96];
	s0 =	simm.s32 @p1 $0x1  }
0x15: {  	[smem:$0x3FB3] =	sst s0;
	s0 =	simm.s32 @!p2 $0x0  }
0x16: {  	s3 =	sld [smem:$0x3FDB];
	s0 =	simm.s32 @p2 $0x1  }
0x17: {  	s4 =	simm.s32 $0x1BF5;
	[smem:$0x3FB5] =	sst s0  }
0x18: {  	s0 =	sld [smem:$0x3F98];
	_ =	swait.ge [sflag:s4], $0x0  }
0x19: {  	s7 =	sld [smem:$0x3F99]  }
0x1a: {  	s8 =	sadd.s32 $0xFFFFE003, lr  }
0x1b: {  	s9 =	sadd.s32 $0xFFFFFEF7, lr;
	s5 =	simm.s32 $0xFFFFFFFF;
	p2 =	slt.u32 s8, $0xFFFFF086  }
0x1c: {  	p1 =	slt.u32 s9, $0xF7A;
	s5 =	simm.s32 @!p2 $0x0  }
0x1d: {  	s5 =	simm.s32 @p1 $0x1;
	p0 =	seq.s32 s7, s2  }
0x1e: {  	s7 =	smul.u32 @!p0 $0xF7A, s2;
	p2 =	seq.s32 @!p0 s5, $0x0  }
0x1f: {  	s9 =	smul.u32 $0xF7A, s1;
	s8 =	simm.s32 @!p0 $0x1BF5;
	p2 =	por !p2, p0  }
0x20: {  	[sflag:s8] =	ssyncset.s32 @!p0 $0xFFFFF086;
	s6 =	sadd.s32 @!p0 s3, s7;
	s7 =	simm.s32 @!p0 $0x108  }
0x21: {  	s3 =	sadd.s32 s3, s9;
	s6 =	sadd.s32 @!p0 $0x88, s6;
	s7 =	simm.s32 @p2 $0x1082  }
0x22: {  	[simem:s7], [sflag:s8] =	dma.local @!p0 [hbm:s6], $0xF7A  }
0x23: {  	s9 =	sor.u32 $0xD0000000, s2;
	s6 =	simm.s32 $0x108;
	_ =	swait.ge @!p0 [sflag:s8], $0x0  }
0x24: {  	s3 =	sadd.s32 $0x88, s3;
	s6 =	simm.s32 @!p1 $0x1082;
	[sflag:s4] =	ssyncset.s32 $0xFFFFF086  }
0x25: {  	[simem:s6], [sflag:s4] =	dma.local [hbm:s3], $0xF7A  }
0x26: {  	[smem:$0x3F99] =	sst s1;
	(tag) =	ssettag s2;
	_ =	strace s9  }
0x27: {  	s1 =	sld [smem:$0x3FA9]  }
0x28: {  	s2 =	sld [smem:$0x3FAA]  }
0x29: {  	s4 =	sld [smem:$0x3FAC]  }
0x2a: {  	p0 =	seq.s32 s5, $0x0;
	s5 =	sld [smem:$0x3FAD]  }
0x2b: {  	s6 =	sld [smem:$0x3FAE]  }
0x2c: {  	s7 =	sld [smem:$0x3FAF]  }
0x2d: {  	s3 =	simm.s32 $0x108;
	s8 =	sld [smem:$0x3FB0]  }
0x2e: {  	s3 =	simm.s32 @!p0 $0x1082;
	s9 =	sld [smem:$0x3FB1]  }
0x2f: {  	lr =	sadd.s32 s0, s3;
	s0 =	sld [smem:$0x3FA8]  }
0x30: {  	s3 =	sld [smem:$0x3FAB]  }
0x31: {  	[smem:$0x3FB4] =	sst s10  }
0x32: {  	s10 =	sld [smem:$0x3FB2];
	_ =	sdelay $0x3  }
0x33: {  	p0 =	seq.s32 s10, $0x1;
	s10 =	sld [smem:$0x3FB4];
	_ =	sdelay $0x3  }
0x34: {  	[smem:$0x3FB4] =	sst s10  }
0x35: {  	s10 =	sld [smem:$0x3FB3];
	_ =	sdelay $0x3  }
0x36: {  	p1 =	seq.s32 s10, $0x1;
	s10 =	sld [smem:$0x3FB4];
	_ =	sdelay $0x3  }
0x37: {  	[smem:$0x3FB4] =	sst s10  }
0x38: {  	s10 =	sld [smem:$0x3FB5]  }
0x39: {  	_ = 	snop;
	(pc) =	sbr.ind lr, $3  }
0x3a: {  	_ = 	snop  }
0x3b: {  	_ = 	snop  }
0x3c: {  	p2 =	seq.s32 s10, $0x1;
	s10 =	sld [smem:$0x3FB4]  }
0x3d: {  	_ =	shalt  }
0x3e: {  	_ =	shalt  }
0x3f: {  	_ =	shalt  }
0x40: {  	_ =	shalt  }
0x41: {  	_ =	shalt  }
0x42: {  	_ =	shalt  }
0x43: {  	_ =	shalt  }
0x44: {  	_ =	shalt  }
0x45: {  	_ =	shalt  }
0x46: {  	_ =	shalt  }
0x47: {  	_ =	shalt  }
0x48: {  	_ =	shalt  }
0x49: {  	_ =	shalt  }
0x4a: {  	_ =	shalt  }
0x4b: {  	_ =	shalt  }
0x4c: {  	_ =	shalt  }
0x4d: {  	_ =	shalt  }
0x4e: {  	_ =	shalt  }
0x4f: {  	_ =	shalt  }
0x50: {  	_ =	shalt  }
0x51: {  	_ =	shalt  }
0x52: {  	_ =	shalt  }
0x53: {  	_ =	shalt  }
0x54: {  	_ =	shalt  }
0x55: {  	_ =	shalt  }
0x56: {  	_ =	shalt  }
0x57: {  	_ =	shalt  }
0x58: {  	_ =	shalt  }
0x59: {  	_ =	shalt  }
0x5a: {  	_ =	shalt  }
0x5b: {  	_ =	shalt  }
0x5c: {  	_ =	shalt  }
0x5d: {  	_ =	shalt  }
0x5e: {  	_ =	shalt  }
0x5f: {  	_ =	shalt  }
0x60: {  	_ =	shalt  }
0x61: {  	_ =	shalt  }
0x62: {  	_ =	shalt  }
0x63: {  	_ =	shalt  }
0x64: {  	_ =	shalt  }
0x65: {  	_ =	shalt  }
0x66: {  	_ =	shalt  }
0x67: {  	_ =	shalt  }
0x68: {  	_ =	shalt  }
0x69: {  	_ =	shalt  }
0x6a: {  	_ =	shalt  }
0x6b: {  	_ =	shalt  }
0x6c: {  	_ =	shalt  }
0x6d: {  	_ =	shalt  }
0x6e: {  	_ =	shalt  }
0x6f: {  	_ =	shalt  }
0x70: {  	_ =	shalt  }
0x71: {  	_ =	shalt  }
0x72: {  	_ =	shalt  }
0x73: {  	_ =	shalt  }
0x74: {  	_ =	shalt  }
0x75: {  	_ =	shalt  }
0x76: {  	_ =	shalt  }
0x77: {  	_ =	shalt  }
0x78: {  	_ =	shalt  }
0x79: {  	_ =	shalt  }
0x7a: {  	_ =	shalt  }
0x7b: {  	_ =	shalt  }
0x7c: {  	_ =	shalt  }
0x7d: {  	_ =	shalt  }
0x7e: {  	_ =	shalt  }
0x7f: {  	_ =	shalt  }
0x80: {  	_ =	shalt  }
0x81: {  	_ =	shalt  }
0x82: {  	_ =	shalt  }
0x83: {  	_ =	shalt  }
0x84: {  	_ =	shalt  }
0x85: {  	_ =	shalt  }
0x86: {  	_ =	shalt  }
0x87: {  	_ =	shalt  }
.Lfunc_end0:
.L_simem_size_0:
called_computation.1_lowered:
.L_overlay_start_0:
0x88: {  	s2 =	sld [smem:$0x3FD9]  }
0x89: {  	s3 =	sld [smem:$0x3FFE];
	_ =	sdelay $0x1  }
0x8a: {  	s1 =	srdreg.scid  }
0x8b: {  	s0 =	sand.u32 $0x1, s1  }
0x8c: {  	s17 =	sshll.u32 s0, $0xA;
	s2 =	sadd.s32 s3, s2  }
0x8d: {  	s2 =	sadd.s32 s2, s17  }
0x8e: {  	[smem:$0x3FC0] =	sst s2  }
0x8f: {  	_ = 	snop  }
0x90: {  	s2 =	sld [smem:$0x3FD0];
	(tm) =	ssettm $0x1  }
0x91: {  	s18 =	sld [smem:$0x3FFB];
	_ =	sdelay $0x3  }
0x92: {  	_ =	strace s18  }
0x93: {  	s3 =	sld [smem:$0x3FFC];
	_ =	sdelay $0x3  }
0x94: {  	_ =	strace s3  }
0x95: {  	s3 =	sld [smem:$0x3FFD];
	_ =	sdelay $0x3  }
0x96: {  	_ =	strace s3  }
0x97: {  	_ =	strace $0x8FFFFFFF  }
0x98: {  	s19 =	sld [smem:$0x3FDB];
	_ =	sdelay $0x1  }
0x99: {  	s4 =	simm.s32 $_scs_section_size  }
0x9a: {  	s5 =	simm.s32 $_size__tile_overlayer_lowered;
	s6 =	simm.s32 $_tile_overlayer_lowered  }
0x9b: {  	s22 =	simm.s32 $0x1BFF;
	s21 =	sshll.u32 s6, $0x1;
	s3 =	sadd.s32 s4, s19  }
0x9c: {  	s7 =	simm.s32 $0x0;
	s20 =	sshll.u32 s5, $0x1;
	s5 =	sadd.s32 s21, s3  }
0x9d: {  	[timem:s7], [sflag:s22] =	dma.local [hbm:s5], s20  }
0x9e: {  	_ =	swait.ge [sflag:s22], s20  }
0x9f: {  	s4 =	ssub.s32 $0x0, s20;
	[sflag:s22] =	ssyncset.done $0x0  }
0xa0: {  	[sflag:s22] =	ssyncadd.s32 s4;
	_ =	sdelay $0x1  }
0xa1: {  	s23 =	simm.s32 $0x1B8B  }
0xa2: {  	_ =	swait.ge [sflag:s23], $0x1  }
0xa3: {  	[sflag:s23] =	ssyncset.done $0x0  }
0xa4: {  	s25 =	simm.s32 $0x1B8E;
	s24 =	sld [smem:$0x3FFE];
	[sflag:s23] =	ssyncadd.s32 $0xFFFFFFFF  }
0xa5: {  	s26 =	simm.s32 $execute0_lowered;
	[smem:$0x3FD2] =	sst s25  }
0xa6: {  	s5 =	sshll.u32 s26, $0x1;
	_ =	strace $0x80000049;
	[dreg:$0x1] =	wrdreg $0xFFFFFFFF  }
0xa7: {  	s28 =	simm.s32 $_size_execute0_lowered;
	s3 =	sadd.s32 s3, s5;
	[dreg:$0x0] =	wrdreg $0x0  }
0xa8: {  	s5 =	sshll.u32 s28, $0x1;
	[dreg:$0x2] =	wrdreg s3  }
0xa9: {  	[dreg:$0x3] =	wrdreg s5  }
0xaa: {  	[dreg:$0x4] =	wrdreg $0xC0  }
0xab: {  	_ =	task [dreg:s7], $0x5FFFF  }
0xac: {  	[dreg:$0x1] =	wrdreg $0xFFFFFFFF  }
0xad: {  	[dreg:$0x0] =	wrdreg $0x60  }
0xae: {  	[dreg:$0x2] =	wrdreg s24  }
0xaf: {  	[dreg:$0x3] =	wrdreg s2  }
0xb0: {  	[dreg:$0x4] =	wrdreg $0x5D400  }
0xb1: {  	[dreg:$0x5] =	wrdreg $0x9  }
0xb2: {  	_ =	task.clear_ibuf [dreg:s7], $0x6FFFF;
	_ =	strace $0x90000049  }
0xb3: {  	s29 =	simm.s32 $0x9;
	_ =	strace $0x8000004B  }
0xb4: {  	_ =	swait.ge [sflag:s29], $0x1  }
0xb5: {  	[sflag:s29] =	ssyncadd.s32 $0xFFFFFFFF  }
0xb6: {  	_ =	strace $0x9000004B  }
0xb7: {  	_ =	sfence  }
0xb8: {  	s30 =	sld [smem:$0x0];
	_ =	sdelay $0x2  }
0xb9: {  	s31 =	sshll.u32 s1, $0xD;
	s1 =	sshrl.u32 s1, $0x2  }
0xba: {  	s3 =	sand.u32 $0x4000, s31;
	s1 =	sadd.s32 s1, s30  }
0xbb: {  	s0 =	sor.u32 s3, s0;
	s1 =	sshll.u32 s1, $0x11  }
0xbc: {  	s0 =	sor.u32 s1, s0  }
0xbd: {  	s0 =	sadd.s32 $0x8F2B, s0  }
0xbe: {  	[sflag:s0] =	ssyncadd.remote.s32 $0x1  }
0xbf: {  	_ =	sfence.sel $0xFFFF  }
0xc0: {  	[dreg:$0x0] =	wrdreg $0xFFFFFFFF;
	(pc) =	sbr.abs _section_cstart, $3  }
0xc1: {  	[dreg:$0x1] =	wrdreg $0xFFFFFFFF  }
0xc2: {  	_ =	task.clear_ibuf [dreg:s7], $0x2FFFF;
	_ =	strace $0x9FFFFFFF  }
0xc3: {  	(tm) =	ssettm $0x7FFFFFFF  }
tec
execute0_lowered:
.L_overlay_start_1:
0x0: {  	(tag) =	ssettag $0x1  }
0x1: {  	s13 =	rddreg [dreg:$0x0]  }
0x2: {  	s11 =	rddreg [dreg:$0x1]  }
0x3: {  	s1 =	rddreg [dreg:$0x2]  }
0x4: {  	s3 =	simm.s32 $0x0;
	s4 =	srdreg.scid;
	s2 =	stileid.u32  }
0x5: {  	s18 =	simm.s32 $0x5C80;
	s19 =	simm.s32 $0x80;
	s20 =	simm.s32 $0x3400  }
0x6: {  	s21 =	simm.s32 $0x1;
	s22 =	simm.s32 $0x5D00;
	s23 =	simm.s32 $0x5D20  }
0x7: {  	s24 =	simm.s32 $0x20;
	s25 =	simm.s32 $0x5400;
	s6 =	smul.u32 $0x27000, s2  }
0x8: {  	s26 =	simm.s32 $0x0;
	[smem:$0x7FF] =	sst s3;
	s8 =	smul.u32 $0x9C00, s2  }
0x9: {  	s4 =	sand.u32 $0x1, s4;
	s15 =	sadd.s32 $0xB600, s13;
	s30 =	smul.u32 $0x4E20, s2  }
0xa: {  	s14 =	sadd.s32 $0x1800, s13;
	s17 =	smul.u32 $0x9C4, s2;
	_ =	strace $0x8000004A  }
0xb: {  	s5 =	ssub.s32 $0x2, s4;
	p0 =	seq.s32 s4, $0x0;
	s16 =	smul.u32 $0x9C400, s4  }
0xc: {  	s7 =	sshrl.u32 s5, $0x1;
	s29 =	sshrl.u32 s6, $0x2;
	s4 =	sadd.s32 s8, s1  }
0xd: {  	s9 =	sshrl.u32 s30, $0x3;
	s12 =	ssub.s32 s5, s7;
	s31 =	sadd.s32 s29, s1  }
0xe: {  	s9 =	sadd.s32 $0x9C0, s9;
	s10 =	sadd.s32 s8, s16;
	s7 =	sadd.s32 $0x9C000, s1  }
0xf: {  	s16 =	sshrl.u32 s16, $0x3;
	s5 =	sadd.s32 $0x3400, s31;
	s6 =	sadd.s32 $0x6800, s31  }
0x10: {  	s8 =	sadd.s32 s15, s9;
	s10 =	sshrl.u32 s10, $0x3;
	s9 =	sadd.s32 s14, s9  }
0x11: {  	s12 =	smax.u32 s12, $0x1;
	s14 =	sadd.s32 s17, s14;
	s15 =	sadd.s32 s17, s15  }
0x12: {  	s10 =	sadd.s32 s11, s10;
	s11 =	sadd.s32 s11, s16;
	s16 =	simm.s32 $0x15400  }
0x13: {  	s17 =	simm.s32 $0x5C00;
	s11 =	sadd.s32 $0x13800, s11;
	s16 =	simm.s32 @!p0 $0x28E00  }
0x14: {  	v0 =	vimm.f32 $0.0e+00;
	p0 =	sne.s32 s2, $0xF;
	s13 =	sadd.s32 s16, s13;
	s16 =	simm.s32 $0x2  }
.LBB2_1:
0x15: {  	s29 =	simm.s32 $0x100;
	s28 =	simm.s32 $0x0  }
.LBB2_2:
0x16: {  	p1 =	sne.s32 s29, $0xCF00;
	[tilespmem:s28+$0x30] =	vst v0;
	s30 =	smov.u32 s29;
	s29 =	sadd.s32 $0x100, s29  }
.Ltmp0:
0x17: {  	[tilespmem:s28+$0x20] =	vst v0;
	(pc) =	sbr.rel @p1 .LBB2_2-.Ltmp0, $3  }
0x18: {  	[tilespmem:s28+$0x0] =	vst v0  }
0x19: {  	[tilespmem:s28+$0x10] =	vst v0;
	_ =	sdelay $0x1  }
0x1a: {  	s28 =	sshra.s32 s30, $0x2  }
0x1b: {  	[tilespmem:s28+$0x30] =	vst v0  }
0x1c: {  	[tilespmem:s28+$0x20] =	vst v0  }
0x1d: {  	[tilespmem:s28+$0x0] =	vst v0  }
0x1e: {  	[tilespmem:s28+$0x10] =	vst v0  }
0x1f: {  	[spmem:s4] =	stream.linear.scatter [tilespmem:s3], [sflag:$0x2], $0x3400, $0x38;
	[tilespmem:$0xF980] =	vst v63  }
0x20: {  	_ =	swait.ge [sflag:s16], $0x3400  }
0x21: {  	[sflag:s16] =	ssyncset.done $0x0  }
0x22: {  	[sflag:s16] =	ssyncadd.s32 $0xFFFFCC00  }
0x23: {  	[spmem:s5] =	stream.linear.scatter [tilespmem:s3], [sflag:$0x2], $0x3400, $0x38;
	[tilespmem:$0xF980] =	vst v63  }
0x24: {  	_ =	swait.ge [sflag:s16], $0x3400  }
0x25: {  	[sflag:s16] =	ssyncset.done $0x0  }
0x26: {  	[sflag:s16] =	ssyncadd.s32 $0xFFFFCC00  }
0x27: {  	[spmem:s6] =	stream.linear.scatter [tilespmem:s3], [sflag:$0x2], $0x3400, $0x38;
	[tilespmem:$0xF980] =	vst v63  }
0x28: {  	_ =	swait.ge [sflag:s16], $0x3400  }
0x29: {  	[sflag:s16] =	ssyncset.done $0x0  }
0x2a: {  	s28 =	simm.s32 @!p0 $0x0;
	[sflag:s16] =	ssyncadd.s32 $0xFFFFCC00  }
0x2b: {  	[spmem:s7] =	stream.linear.scatter @!p0 [tilespmem:s28], [sflag:$0x2], $0x400, $0x38;
	[tilespmem:$0xF980] =	vst v63  }
0x2c: {  	s28 =	simm.s32 @!p0 $0x2  }
0x2d: {  	_ =	swait.ge @!p0 [sflag:s28], $0x400  }
0x2e: {  	[sflag:s28] =	ssyncset.done @!p0 $0x0  }
0x2f: {  	[sflag:s28] =	ssyncadd.s32 @!p0 $0xFFFFFC00  }
0x30: {  	s28 =	sadd.s32 $0x0, s15;
	[bflag:$0x0] =	sbarrier.arrive $0xFFFF  }
0x31: {  	[tilespmem:s17], [sflag:$0x2] =	stream.linear.gather [hbm4b:s28+s3], $0x80, $0x38;
	[tilespmem:$0xF980] =	vst v63  }
0x32: {  	_ =	swait.ge [sflag:s16], $0x80  }
0x33: {  	[sflag:s16] =	ssyncset.done $0x0  }
0x34: {  	s28 =	sadd.s32 $0x0, s14;
	[sflag:s16] =	ssyncadd.s32 $0xFFFFFF80  }
0x35: {  	[tilespmem:s18], [sflag:$0x2] =	stream.linear.gather [hbm4b:s28+s3], $0x80, $0x38;
	[tilespmem:$0xF980] =	vst v63  }
0x36: {  	_ =	swait.ge [sflag:s16], $0x80  }
0x37: {  	[sflag:s16] =	ssyncset.done $0x0  }
0x38: {  	[sflag:s16] =	ssyncadd.s32 $0xFFFFFF80  }
0x39: {  	[tilespmem:s20], [sflag:$0x1] =	stream.indirect.gather [hbm4b:s13+s19], $0x40, s17, s19, $0xb8;
	[tilespmem:$0xF980] =	vst v63  }
0x3a: {  	_ =	swait.ge [sflag:s21], $0x2000  }
0x3b: {  	[sflag:s21] =	ssyncset.done $0x0  }
0x3c: {  	[sflag:s21] =	ssyncadd.s32 $0xFFFFE000  }
0x3d: {  	[spmem:s1] =	stream.indirect.scatter.add.f32 [tilespmem:s20], [sflag:$0x2], $0x40, s18, s19, $0xb8;
	[tilespmem:$0xF980] =	vst v63  }
0x3e: {  	_ =	swait.ge [sflag:s16], $0x2000  }
0x3f: {  	s29 =	simm.s32 $0x20;
	s28 =	simm.s32 $0x10;
	[sflag:s16] =	ssyncset.done $0x0  }
.LBB2_4:
0x40: {  	s30 =	sadd.s32 s28, s15  }
0x41: {  	[sflag:s16] =	ssyncadd.s32 $0xFFFFE000;
	s31 =	smov.u32 s29;
	s0 =	sadd.s32 $0x10, s29  }
0x42: {  	[tilespmem:s17], [sflag:$0x2] =	stream.linear.gather [hbm4b:s30+s3], $0x80, $0x38;
	[tilespmem:$0xF980] =	vst v63  }
0x43: {  	p1 =	sne.s32 s29, $0x9B0;
	_ =	swait.ge [sflag:s16], $0x80  }
0x44: {  	[sflag:s16] =	ssyncset.done $0x0  }
0x45: {  	s29 =	sadd.s32 s28, s14;
	s28 =	smov.u32 s31;
	[sflag:s16] =	ssyncadd.s32 $0xFFFFFF80  }
0x46: {  	[tilespmem:s18], [sflag:$0x2] =	stream.linear.gather [hbm4b:s29+s3], $0x80, $0x38;
	[tilespmem:$0xF980] =	vst v63  }
0x47: {  	_ =	swait.ge [sflag:s16], $0x80  }
0x48: {  	[sflag:s16] =	ssyncset.done $0x0  }
0x49: {  	[sflag:s16] =	ssyncadd.s32 $0xFFFFFF80  }
0x4a: {  	[tilespmem:s20], [sflag:$0x1] =	stream.indirect.gather [hbm4b:s13+s19], $0x40, s17, s19, $0xb8;
	[tilespmem:$0xF980] =	vst v63  }
0x4b: {  	_ =	swait.ge [sflag:s21], $0x2000  }
.Ltmp1:
0x4c: {  	[sflag:s21] =	ssyncset.done $0x0;
	(pc) =	sbr.rel @p1 .LBB2_4-.Ltmp1, $4  }
0x4d: {  	[sflag:s21] =	ssyncadd.s32 $0xFFFFE000  }
0x4e: {  	[spmem:s1] =	stream.indirect.scatter.add.f32 [tilespmem:s20], [sflag:$0x2], $0x40, s18, s19, $0xb8;
	[tilespmem:$0xF980] =	vst v63  }
0x4f: {  	_ =	swait.ge [sflag:s16], $0x2000  }
0x50: {  	s29 =	smov.u32 s0;
	[sflag:s16] =	ssyncset.done $0x0  }
0x51: {  	s0 =	sadd.s32 s28, s15;
	[sflag:s16] =	ssyncadd.s32 $0xFFFFE000  }
0x52: {  	[tilespmem:s17], [sflag:$0x2] =	stream.linear.gather [hbm4b:s0+s3], $0x80, $0x38;
	[tilespmem:$0xF980] =	vst v63  }
0x53: {  	_ =	swait.ge [sflag:s16], $0x80  }
0x54: {  	[sflag:s16] =	ssyncset.done $0x0  }
0x55: {  	s29 =	sadd.s32 s28, s14;
	[sflag:s16] =	ssyncadd.s32 $0xFFFFFF80  }
0x56: {  	[tilespmem:s18], [sflag:$0x2] =	stream.linear.gather [hbm4b:s29+s3], $0x80, $0x38;
	[tilespmem:$0xF980] =	vst v63  }
0x57: {  	_ =	swait.ge [sflag:s16], $0x80  }
0x58: {  	[sflag:s16] =	ssyncset.done $0x0  }
0x59: {  	[sflag:s16] =	ssyncadd.s32 $0xFFFFFF80  }
0x5a: {  	[tilespmem:s20], [sflag:$0x1] =	stream.indirect.gather [hbm4b:s13+s19], $0x40, s17, s19, $0xb8;
	[tilespmem:$0xF980] =	vst v63  }
0x5b: {  	_ =	swait.ge [sflag:s21], $0x2000  }
0x5c: {  	[sflag:s21] =	ssyncset.done $0x0  }
0x5d: {  	[sflag:s21] =	ssyncadd.s32 $0xFFFFE000  }
0x5e: {  	[spmem:s1] =	stream.indirect.scatter.add.f32 [tilespmem:s20], [sflag:$0x2], $0x40, s18, s19, $0xb8;
	[tilespmem:$0xF980] =	vst v63  }
0x5f: {  	_ =	swait.ge [sflag:s16], $0x2000  }
0x60: {  	[sflag:s16] =	ssyncset.done $0x0  }
0x61: {  	[sflag:s16] =	ssyncadd.s32 $0xFFFFE000  }
0x62: {  	[tilespmem:s22], [sflag:$0x2] =	stream.linear.gather [hbm4b:s8+s3], $0x20, $0x38;
	[tilespmem:$0xF980] =	vst v63  }
0x63: {  	_ =	swait.ge [sflag:s16], $0x20  }
0x64: {  	[sflag:s16] =	ssyncset.done $0x0  }
0x65: {  	[sflag:s16] =	ssyncadd.s32 $0xFFFFFFE0  }
0x66: {  	[tilespmem:s23], [sflag:$0x2] =	stream.linear.gather [hbm4b:s9+s3], $0x20, $0x38;
	[tilespmem:$0xF980] =	vst v63  }
0x67: {  	_ =	swait.ge [sflag:s16], $0x20  }
0x68: {  	[sflag:s16] =	ssyncset.done $0x0  }
0x69: {  	[sflag:s16] =	ssyncadd.s32 $0xFFFFFFE0  }
0x6a: {  	[tilespmem:s25], [sflag:$0x1] =	stream.indirect.gather [hbm4b:s13+s24], $0x40, s22, s24, $0xb8;
	[tilespmem:$0xF980] =	vst v63  }
0x6b: {  	_ =	swait.ge [sflag:s21], $0x800  }
0x6c: {  	[sflag:s21] =	ssyncset.done $0x0  }
0x6d: {  	[sflag:s21] =	ssyncadd.s32 $0xFFFFF800  }
0x6e: {  	[spmem:s1] =	stream.indirect.scatter.add.f32 [tilespmem:s25], [sflag:$0x2], $0x40, s23, s24, $0xb8;
	[tilespmem:$0xF980] =	vst v63  }
0x6f: {  	_ =	swait.ge [sflag:s16], $0x800  }
0x70: {  	[sflag:s16] =	ssyncset.done $0x0  }
0x71: {  	s30 =	sshll.u32 s2, $0x6;
	[sflag:s16] =	ssyncadd.s32 $0xFFFFF800  }
0x72: {  	s31 =	sshrl.u32 s4, $0x3;
	s0 =	sor.u32 $0x1C02, s30;
	[bflag:$0x0] =	sbarrier.arrive $0xFFFF  }
0x73: {  	[hbm:s10], [sflag:s0] =	dma.local [spmem:s31], $0x1380  }
0x74: {  	_ =	swait.ge [sflag:s16], $0x1380  }
0x75: {  	s26 =	sadd.s32 $0x1, s26;
	[sflag:s16] =	ssyncset.done $0x0  }
0x76: {  	s28 =	sshrl.u32 @!p0 s7, $0x3;
	p1 =	sne.s32 s26, s12;
	[sflag:s16] =	ssyncadd.s32 $0xFFFFEC80  }
0x77: {  	[hbm:s11], [sflag:s0] =	dma.local @!p0 [spmem:s28], $0x80  }
.Ltmp2:
0x78: {  	_ = 	snop;
	(pc) =	sbr.rel @p1 .LBB2_1-.Ltmp2, $4  }
0x79: {  	s0 =	simm.s32 @!p0 $0x2  }
0x7a: {  	_ =	swait.ge @!p0 [sflag:s0], $0x80  }
0x7b: {  	[sflag:s0] =	ssyncset.done @!p0 $0x0  }
0x7c: {  	[sflag:s0] =	ssyncadd.s32 @!p0 $0xFFFFFF80  }
0x7d: {  	_ =	sfence.sel $0x180000  }
0x7e: {  	[bflag:$0x0] =	sbarrier.arrive $0xFFFF  }
0x7f: {  	_ =	strace $0x9000004A  }
0x80: {  	[bflag:$0x2] =	sbarrier.arrive $0xFFFF  }
0x81: {  	p0 =	sne.s32 s2, $0x0;
	s0 =	rddreg [dreg:$0x3]  }
0x82: {  	s0 =	sadd.s32 @!p0 $0x100000, s0  }
0x83: {  	[sflag:s0] =	ssyncadd.tile.s32 @!p0 $0x1;
	_ =	shalt  }
.Lfunc_end2:
_tile_overlayer_lowered:
.L_overlay_start_2:
0x84: {  	(tag) =	ssettag $0x2  }
0x85: {  	s0 =	rddreg [dreg:$0x0];
	s2 =	stileid.u32  }
0x86: {  	s1 =	rddreg [dreg:$0x1];
	p0 =	sne.s32 s2, $0x0  }
0x87: {  	s3 =	rddreg [dreg:$0x2];
	[bflag:$0x3] =	sbarrier.arrive $0xFFFF;
	s2 =	simm.s32 @!p0 $0x1C02  }
0x88: {  	[timem:s3], [sflag:s2] =	dma.local @!p0 [hbm:s0], s1  }
0x89: {  	s0 =	simm.s32 @!p0 $0x2  }
0x8a: {  	_ =	swait.ge @!p0 [sflag:s0], s1  }
0x8b: {  	s1 =	ssub.s32 @!p0 $0x0, s1;
	[sflag:s0] =	ssyncset.done @!p0 $0x0  }
0x8c: {  	[sflag:s0] =	ssyncadd.s32 @!p0 s1  }
0x8d: {  	[bflag:$0x3] =	sbarrier.arrive $0xFFFF  }
0x8e: {  	_ =	shalt  }

</sc_bundles>
